<compile_context>
chip_gen: v7x
topology: tpu7x:2x2x1
jax: 0.10.2.dev20260603
libtpu: 0.0.44.dev20260713+nightly
codegen_flags: <defaults>
</compile_context>

<pallas_src>
import functools

import jax
import jax.numpy as jnp
from jax import lax
from jax.experimental import pallas as pl
from jax.experimental.pallas import tpu as pltpu
from jax.experimental.pallas import tpu_sc as plsc

_NC, _NS, _L = 2, 16, 16
_NW = _NC * _NS
_N = 320000
_G = 2000
_D = 128
_E = 16
_P = _N // _NW
_CHUNK = 200
_NCH = _P // _CHUNK
_NB = 3
_SUB = 100
_NSUB = _CHUNK // _SUB
_IDR = _P // _SUB
_GP = 2048
_RPT = _GP // _NS


def _sc_body(emb, ids3, out, rows, ids_v, acc_sh, sem_g):
    cid = lax.axis_index("c")
    sid = lax.axis_index("s")
    wid = cid * _NS + sid
    base = wid * _P

    def issue(c, b):
        pltpu.async_copy(emb.at[pl.ds(base + c * _CHUNK, _CHUNK)], rows[b], sem_g[b])

    def drain(c, b):
        pltpu.make_async_copy(emb.at[pl.ds(base + c * _CHUNK, _CHUNK)], rows[b],
                              sem_g[b]).wait()

    def scatter(c, b):
        for s in range(_NSUB):
            pltpu.sync_copy(rows[b].at[pl.ds(s * _SUB, _SUB)],
                            acc_sh.at[ids_v.at[c * _NSUB + s]], add=True)

    @pl.loop(0, _RPT)
    def _(r):
        for f in range(_D // _L):
            rows[0][r, pl.ds(f * _L, _L)] = jnp.zeros((_L,), jnp.float32)

    pltpu.sync_copy(rows[0].at[pl.ds(0, _RPT)], acc_sh.at[pl.ds(sid * _RPT, _RPT)])

    pltpu.sync_copy(ids3.at[wid], ids_v)
    plsc.subcore_barrier()

    for b in range(_NB):
        issue(b, b)

    @pl.loop(0, _NCH - _NCH % _NB, step=_NB)
    def _(i):
        for j in range(_NB):
            c = i + j
            drain(c, j)
            scatter(c, j)

            @pl.when(c + _NB < _NCH)
            def _():
                issue(c + _NB, j)

    for c in range(_NCH - _NCH % _NB, _NCH):
        b = c % _NB
        drain(c, b)
        scatter(c, b)

    plsc.subcore_barrier()
    row0 = cid * _GP + sid * _RPT
    pltpu.sync_copy(acc_sh.at[pl.ds(sid * _RPT, _RPT)], out.at[pl.ds(row0, _RPT)])


_sc_segsum = pl.kernel(
    _sc_body,
    out_type=jax.ShapeDtypeStruct((_NC * _GP, _D), jnp.float32),
    mesh=plsc.VectorSubcoreMesh(core_axis_name="c", subcore_axis_name="s"),
    scratch_types=[
        [pltpu.VMEM((_CHUNK, _D), jnp.float32) for _ in range(_NB)],
        pltpu.VMEM((_IDR, _SUB), jnp.int32),
        pltpu.VMEM_SHARED((_GP, _D), jnp.float32),
        [pltpu.SemaphoreType.DMA for _ in range(_NB)],
    ],
)


def _tc_final(p_ref, wmu_ref, wvar_ref, bmu_ref, bvar_ref, mu_ref, var_ref):
    s = p_ref[0:_G, :] + p_ref[_GP:_GP + _G, :]
    dims = (((1,), (1,)), ((), ()))
    mu_ref[...] = (
        lax.dot_general(s, wmu_ref[...], dims, preferred_element_type=jnp.float32)
        + bmu_ref[...]
    )
    pre = (
        lax.dot_general(s, wvar_ref[...], dims, preferred_element_type=jnp.float32)
        + bvar_ref[...]
    )
    var_ref[...] = jax.nn.softplus(pre) + 1e-8


_tc_call = pl.pallas_call(
    _tc_final,
    out_shape=[
        jax.ShapeDtypeStruct((_G, _E), jnp.float32),
        jax.ShapeDtypeStruct((_G, _E), jnp.float32),
    ],
)


@jax.jit
def kernel(node_embeddings, batch, W, b):
    partials = _sc_segsum(node_embeddings, batch.reshape(_NW, _IDR, _SUB))
    w_mu = W[0::2]
    w_var = W[1::2]
    b_mu = b[0::2].reshape(1, _E)
    b_var = b[1::2].reshape(1, _E)
    mu, var = _tc_call(partials, w_mu, w_var, b_mu, b_var)
    return mu[:, :, None], var[:, :, None]

# --- scband reference (transcript-rebuilt; emitter-appended) ---
"""Pipeline reference for scband-graph-expert-emission-68642167325136 (READ-ONLY COPY).

The authoritative reference and input builder live on the scoring server;
editing this copy changes nothing except your own understanding.
"""

import jax, jax.numpy as jnp
import numpy as np

DIM_FEATURES = 128
NO_EXPERTS = 16
DIM_TARGET = 1
NUM_GRAPHS = 2000
N_NODES = 320000


def setup_inputs(seed: int = 0) -> dict:
    key = jax.random.key(seed)
    k1, k2, k3 = jax.random.split(key, 3)
    node_embeddings = jax.random.normal(k1, (N_NODES, DIM_FEATURES), dtype=jnp.float32)
    batch = jnp.sort(jax.random.randint(k2, (N_NODES,), 0, NUM_GRAPHS, dtype=jnp.int32))
    out_dim = NO_EXPERTS * 2 * DIM_TARGET
    # final_transform: torch Linear(dim_features, no_experts*2*dim_target) with bias
    W = jax.random.normal(k3, (out_dim, DIM_FEATURES), dtype=jnp.float32) / np.sqrt(DIM_FEATURES)
    b = jnp.zeros((out_dim,), dtype=jnp.float32)
    return {"node_embeddings": node_embeddings, "batch": batch, "W": W, "b": b}


def reference(node_embeddings, batch, W, b):
    # node_transform = Identity (hidden_units == 0)
    # aggregate = global_add_pool -> segment_sum over graph ids
    graph_embeddings = jax.ops.segment_sum(node_embeddings, batch, num_segments=NUM_GRAPHS)
    # final_transform linear, output_activation = Identity
    out = graph_embeddings @ W.T + b
    # gaussian branch of get_distribution_parameters
    params = out.reshape(-1, NO_EXPERTS, 2, DIM_TARGET)
    mu = params[:, :, 0, :]
    var = jax.nn.softplus(params[:, :, 1, :]) + 1e-08
    return (mu, var)

if __name__ == "__main__":
    import jax
    _d = setup_inputs()
    print(jax.jit(kernel)(*tuple(_d.values())))

</pallas_src>

<mosaic_0001>
#map = affine_map<(d0, d1) -> (0, 0)>
#map1 = affine_map<(d0, d1) -> (0, 0, 0)>
module attributes {stable_mosaic.version = 14 : i64} {
  func.func @_sc_body(%arg0: i32, %arg1: i32, %arg2: memref<320000x128xf32, #tpu.memory_space<hbm>>, %arg3: memref<32x100x100xi32, #tpu.memory_space<hbm>>, %arg4: memref<4096x128xf32, #tpu.memory_space<hbm>>, %arg5: memref<200x128xf32, #tpu.memory_space<vmem>>, %arg6: memref<200x128xf32, #tpu.memory_space<vmem>>, %arg7: memref<200x128xf32, #tpu.memory_space<vmem>>, %arg8: memref<100x100xi32, #tpu.memory_space<vmem>>, %arg9: memref<2048x128xf32, #tpu.memory_space<vmem_shared>>, %arg10: memref<!tpu.dma_semaphore, #tpu.memory_space<semaphore_mem>>, %arg11: memref<!tpu.dma_semaphore, #tpu.memory_space<semaphore_mem>>, %arg12: memref<!tpu.dma_semaphore, #tpu.memory_space<semaphore_mem>>) attributes {dimension_semantics = [#tpu.dimension_semantics<core_parallel>, #tpu.dimension_semantics<subcore_parallel>], iteration_bounds = array<i64: 2, 16>, scalar_prefetch = 0 : i64, scratch_operands = 8 : i64, tpu.core_type = #tpu.core_type<sc_vector_subcore>, window_params = [{transform_indices = #map}, {transform_indices = #map1}, {transform_indices = #map}]} {
    %mul3A = arith.constant 16 : i32
    %mul3A_0 = arith.muli %arg0, %mul3A : i32
    %add3A = arith.addi %mul3A_0, %arg1 : i32
    %mul3A_1 = arith.constant 10000 : i32
    %mul3A_2 = arith.muli %add3A, %mul3A_1 : i32
    %scan3A = arith.constant 0 : i32
    %scan3A_3 = arith.constant 128 : i32
    %scan3A_4 = arith.addi %scan3A, %scan3A_3 : i32
    %scan3A_5 = arith.constant 1 : i32
    scf.for %scan3A_53 = %scan3A to %scan3A_4 step %scan3A_5  : i32 {
      %mul3A_54 = arith.constant 1 : i32
      %mul3A_55 = arith.muli %scan3A_53, %mul3A_54 : i32
      %add3A_56 = arith.constant 0 : i32
      %add3A_57 = arith.addi %add3A_56, %mul3A_55 : i32
      %broadcast_in_dim3A = arith.constant 0.000000e+00 : f32
      %broadcast_in_dim3A_58 = vector.broadcast %broadcast_in_dim3A : f32 to vector<16xf32>
      %swap3A = arith.index_cast %add3A_57 : i32 to index
      %swap3A_59 = arith.constant 0 : index
      %swap3A_60 = tpu.vector_load %arg5[%swap3A, %swap3A_59] {strides = array<i32>} : memref<200x128xf32, #tpu.memory_space<vmem>>, vector<1x16xf32>,
      %swap3A_61 = vector.shape_cast %swap3A_60 : vector<1x16xf32> to vector<16xf32>
      %swap3A_62 = vector.shape_cast %broadcast_in_dim3A_58 : vector<16xf32> to vector<1x16xf32>
      tpu.vector_store %arg5[%swap3A, %swap3A_59], %swap3A_62 {strides = array<i32>} : memref<200x128xf32, #tpu.memory_space<vmem>>, vector<1x16xf32>,
      %broadcast_in_dim3A_63 = arith.constant 0.000000e+00 : f32
      %broadcast_in_dim3A_64 = vector.broadcast %broadcast_in_dim3A_63 : f32 to vector<16xf32>
      %swap3A_65 = arith.index_cast %add3A_57 : i32 to index
      %swap3A_66 = arith.constant 16 : index
      %swap3A_67 = tpu.vector_load %arg5[%swap3A_65, %swap3A_66] {strides = array<i32>} : memref<200x128xf32, #tpu.memory_space<vmem>>, vector<1x16xf32>,
      %swap3A_68 = vector.shape_cast %swap3A_67 : vector<1x16xf32> to vector<16xf32>
      %swap3A_69 = vector.shape_cast %broadcast_in_dim3A_64 : vector<16xf32> to vector<1x16xf32>
      tpu.vector_store %arg5[%swap3A_65, %swap3A_66], %swap3A_69 {strides = array<i32>} : memref<200x128xf32, #tpu.memory_space<vmem>>, vector<1x16xf32>,
      %broadcast_in_dim3A_70 = arith.constant 0.000000e+00 : f32
      %broadcast_in_dim3A_71 = vector.broadcast %broadcast_in_dim3A_70 : f32 to vector<16xf32>
      %swap3A_72 = arith.index_cast %add3A_57 : i32 to index
      %swap3A_73 = arith.constant 32 : index
      %swap3A_74 = tpu.vector_load %arg5[%swap3A_72, %swap3A_73] {strides = array<i32>} : memref<200x128xf32, #tpu.memory_space<vmem>>, vector<1x16xf32>,
      %swap3A_75 = vector.shape_cast %swap3A_74 : vector<1x16xf32> to vector<16xf32>
      %swap3A_76 = vector.shape_cast %broadcast_in_dim3A_71 : vector<16xf32> to vector<1x16xf32>
      tpu.vector_store %arg5[%swap3A_72, %swap3A_73], %swap3A_76 {strides = array<i32>} : memref<200x128xf32, #tpu.memory_space<vmem>>, vector<1x16xf32>,
      %broadcast_in_dim3A_77 = arith.constant 0.000000e+00 : f32
      %broadcast_in_dim3A_78 = vector.broadcast %broadcast_in_dim3A_77 : f32 to vector<16xf32>
      %swap3A_79 = arith.index_cast %add3A_57 : i32 to index
      %swap3A_80 = arith.constant 48 : index
      %swap3A_81 = tpu.vector_load %arg5[%swap3A_79, %swap3A_80] {strides = array<i32>} : memref<200x128xf32, #tpu.memory_space<vmem>>, vector<1x16xf32>,
      %swap3A_82 = vector.shape_cast %swap3A_81 : vector<1x16xf32> to vector<16xf32>
      %swap3A_83 = vector.shape_cast %broadcast_in_dim3A_78 : vector<16xf32> to vector<1x16xf32>
      tpu.vector_store %arg5[%swap3A_79, %swap3A_80], %swap3A_83 {strides = array<i32>} : memref<200x128xf32, #tpu.memory_space<vmem>>, vector<1x16xf32>,
      %broadcast_in_dim3A_84 = arith.constant 0.000000e+00 : f32
      %broadcast_in_dim3A_85 = vector.broadcast %broadcast_in_dim3A_84 : f32 to vector<16xf32>
      %swap3A_86 = arith.index_cast %add3A_57 : i32 to index
      %swap3A_87 = arith.constant 64 : index
      %swap3A_88 = tpu.vector_load %arg5[%swap3A_86, %swap3A_87] {strides = array<i32>} : memref<200x128xf32, #tpu.memory_space<vmem>>, vector<1x16xf32>,
      %swap3A_89 = vector.shape_cast %swap3A_88 : vector<1x16xf32> to vector<16xf32>
      %swap3A_90 = vector.shape_cast %broadcast_in_dim3A_85 : vector<16xf32> to vector<1x16xf32>
      tpu.vector_store %arg5[%swap3A_86, %swap3A_87], %swap3A_90 {strides = array<i32>} : memref<200x128xf32, #tpu.memory_space<vmem>>, vector<1x16xf32>,
      %broadcast_in_dim3A_91 = arith.constant 0.000000e+00 : f32
      %broadcast_in_dim3A_92 = vector.broadcast %broadcast_in_dim3A_91 : f32 to vector<16xf32>
      %swap3A_93 = arith.index_cast %add3A_57 : i32 to index
      %swap3A_94 = arith.constant 80 : index
      %swap3A_95 = tpu.vector_load %arg5[%swap3A_93, %swap3A_94] {strides = array<i32>} : memref<200x128xf32, #tpu.memory_space<vmem>>, vector<1x16xf32>,
      %swap3A_96 = vector.shape_cast %swap3A_95 : vector<1x16xf32> to vector<16xf32>
      %swap3A_97 = vector.shape_cast %broadcast_in_dim3A_92 : vector<16xf32> to vector<1x16xf32>
      tpu.vector_store %arg5[%swap3A_93, %swap3A_94], %swap3A_97 {strides = array<i32>} : memref<200x128xf32, #tpu.memory_space<vmem>>, vector<1x16xf32>,
      %broadcast_in_dim3A_98 = arith.constant 0.000000e+00 : f32
      %broadcast_in_dim3A_99 = vector.broadcast %broadcast_in_dim3A_98 : f32 to vector<16xf32>
      %swap3A_100 = arith.index_cast %add3A_57 : i32 to index
      %swap3A_101 = arith.constant 96 : index
      %swap3A_102 = tpu.vector_load %arg5[%swap3A_100, %swap3A_101] {strides = array<i32>} : memref<200x128xf32, #tpu.memory_space<vmem>>, vector<1x16xf32>,
      %swap3A_103 = vector.shape_cast %swap3A_102 : vector<1x16xf32> to vector<16xf32>
      %swap3A_104 = vector.shape_cast %broadcast_in_dim3A_99 : vector<16xf32> to vector<1x16xf32>
      tpu.vector_store %arg5[%swap3A_100, %swap3A_101], %swap3A_104 {strides = array<i32>} : memref<200x128xf32, #tpu.memory_space<vmem>>, vector<1x16xf32>,
      %broadcast_in_dim3A_105 = arith.constant 0.000000e+00 : f32
      %broadcast_in_dim3A_106 = vector.broadcast %broadcast_in_dim3A_105 : f32 to vector<16xf32>
      %swap3A_107 = arith.index_cast %add3A_57 : i32 to index
      %swap3A_108 = arith.constant 112 : index
      %swap3A_109 = tpu.vector_load %arg5[%swap3A_107, %swap3A_108] {strides = array<i32>} : memref<200x128xf32, #tpu.memory_space<vmem>>, vector<1x16xf32>,
      %swap3A_110 = vector.shape_cast %swap3A_109 : vector<1x16xf32> to vector<16xf32>
      %swap3A_111 = vector.shape_cast %broadcast_in_dim3A_106 : vector<16xf32> to vector<1x16xf32>
      tpu.vector_store %arg5[%swap3A_107, %swap3A_108], %swap3A_111 {strides = array<i32>} : memref<200x128xf32, #tpu.memory_space<vmem>>, vector<1x16xf32>,
    }
    %scan3A_6 = arith.constant 128 : i32
    %mul3A_7 = arith.constant 128 : i32
    %mul3A_8 = arith.muli %arg1, %mul3A_7 : i32
    "tpu.region"() ({
      %run_scoped3A_53 = tpu.sem_alloc : memref<!tpu.dma_semaphore, #tpu.memory_space<semaphore_mem>>
      %dma_start3A_54 = arith.constant 0 : i32
      %dma_start3A_55 = arith.constant 0 : i32
      %dma_start3A_56 = tpu.memref_slice %arg5[%dma_start3A_54, %dma_start3A_55] : memref<200x128xf32, #tpu.memory_space<vmem>> -> memref<128x128xf32, #tpu.memory_space<vmem>>
      %dma_start3A_57 = arith.constant 0 : i32
      %dma_start3A_58 = tpu.memref_slice %arg9[%mul3A_8, %dma_start3A_57] : memref<2048x128xf32, #tpu.memory_space<vmem_shared>> -> memref<128x128xf32, #tpu.memory_space<vmem_shared>>
      %dma_start3A_59 = arith.constant 0 : i32
      %dma_start3A_60 = tpu.memref_slice %arg9[%mul3A_8, %dma_start3A_59] : memref<2048x128xf32, #tpu.memory_space<vmem_shared>> -> memref<128x128xf32, #tpu.memory_space<vmem_shared>>
      %dma_start3A_61 = arith.constant 0 : i32
      %dma_start3A_62 = arith.constant 0 : i32
      %dma_start3A_63 = tpu.memref_slice %arg5[%dma_start3A_61, %dma_start3A_62] : memref<200x128xf32, #tpu.memory_space<vmem>> -> memref<128x128xf32, #tpu.memory_space<vmem>>
      tpu.enqueue_dma source(%dma_start3A_63 : memref<128x128xf32, #tpu.memory_space<vmem>>) target(%dma_start3A_60 : memref<128x128xf32, #tpu.memory_space<vmem_shared>>) target_semaphore(%run_scoped3A_53 : memref<!tpu.dma_semaphore, #tpu.memory_space<semaphore_mem>>)
      %dma_wait3A_64 = arith.constant 0 : i32
      %dma_wait3A_65 = arith.constant 0 : i32
      %dma_wait3A_66 = tpu.memref_slice %arg5[%dma_wait3A_64, %dma_wait3A_65] : memref<200x128xf32, #tpu.memory_space<vmem>> -> memref<128x128xf32, #tpu.memory_space<vmem>>
      %dma_wait3A_67 = arith.constant 0 : i32
      %dma_wait3A_68 = tpu.memref_slice %arg9[%mul3A_8, %dma_wait3A_67] : memref<2048x128xf32, #tpu.memory_space<vmem_shared>> -> memref<128x128xf32, #tpu.memory_space<vmem_shared>>
      %dma_wait3A_69 = arith.constant 0 : i32
      %dma_wait3A_70 = tpu.memref_slice %arg9[%mul3A_8, %dma_wait3A_69] : memref<2048x128xf32, #tpu.memory_space<vmem_shared>> -> memref<128x128xf32, #tpu.memory_space<vmem_shared>>
      %dma_wait3A_71 = arith.constant 0 : i32
      %dma_wait3A_72 = arith.constant 0 : i32
      %dma_wait3A_73 = tpu.memref_slice %arg5[%dma_wait3A_71, %dma_wait3A_72] : memref<200x128xf32, #tpu.memory_space<vmem>> -> memref<128x128xf32, #tpu.memory_space<vmem>>
      tpu.wait_dma2 semaphore(%run_scoped3A_53 : memref<!tpu.dma_semaphore, #tpu.memory_space<semaphore_mem>>) src(%dma_wait3A_73 : memref<128x128xf32, #tpu.memory_space<vmem>>) dst(%dma_wait3A_70 : memref<128x128xf32, #tpu.memory_space<vmem_shared>>)
      tpu.yield
    }) : () -> ()
    "tpu.region"() ({
      %run_scoped3A_53 = tpu.sem_alloc : memref<!tpu.dma_semaphore, #tpu.memory_space<semaphore_mem>>
      %dma_start3A_54 = arith.constant 0 : i32
      %dma_start3A_55 = arith.constant 0 : i32
      %dma_start3A_56 = tpu.memref_slice %arg3[%add3A, %dma_start3A_54, %dma_start3A_55] : memref<32x100x100xi32, #tpu.memory_space<hbm>> -> memref<1x100x100xi32, #tpu.memory_space<hbm>>
      %dma_start3A_57 = tpu.memref_squeeze %dma_start3A_56 : memref<1x100x100xi32, #tpu.memory_space<hbm>> -> memref<100x100xi32, #tpu.memory_space<hbm>>
      %dma_start3A_58 = arith.constant 0 : i32
      %dma_start3A_59 = arith.constant 0 : i32
      %dma_start3A_60 = tpu.memref_slice %arg3[%add3A, %dma_start3A_58, %dma_start3A_59] : memref<32x100x100xi32, #tpu.memory_space<hbm>> -> memref<1x100x100xi32, #tpu.memory_space<hbm>>
      %dma_start3A_61 = tpu.memref_squeeze %dma_start3A_60 : memref<1x100x100xi32, #tpu.memory_space<hbm>> -> memref<100x100xi32, #tpu.memory_space<hbm>>
      tpu.enqueue_dma source(%dma_start3A_61 : memref<100x100xi32, #tpu.memory_space<hbm>>) target(%arg8 : memref<100x100xi32, #tpu.memory_space<vmem>>) target_semaphore(%run_scoped3A_53 : memref<!tpu.dma_semaphore, #tpu.memory_space<semaphore_mem>>)
      %dma_wait3A_62 = arith.constant 0 : i32
      %dma_wait3A_63 = arith.constant 0 : i32
      %dma_wait3A_64 = tpu.memref_slice %arg3[%add3A, %dma_wait3A_62, %dma_wait3A_63] : memref<32x100x100xi32, #tpu.memory_space<hbm>> -> memref<1x100x100xi32, #tpu.memory_space<hbm>>
      %dma_wait3A_65 = tpu.memref_squeeze %dma_wait3A_64 : memref<1x100x100xi32, #tpu.memory_space<hbm>> -> memref<100x100xi32, #tpu.memory_space<hbm>>
      %dma_wait3A_66 = arith.constant 0 : i32
      %dma_wait3A_67 = arith.constant 0 : i32
      %dma_wait3A_68 = tpu.memref_slice %arg3[%add3A, %dma_wait3A_66, %dma_wait3A_67] : memref<32x100x100xi32, #tpu.memory_space<hbm>> -> memref<1x100x100xi32, #tpu.memory_space<hbm>>
      %dma_wait3A_69 = tpu.memref_squeeze %dma_wait3A_68 : memref<1x100x100xi32, #tpu.memory_space<hbm>> -> memref<100x100xi32, #tpu.memory_space<hbm>>
      tpu.wait_dma2 semaphore(%run_scoped3A_53 : memref<!tpu.dma_semaphore, #tpu.memory_space<semaphore_mem>>) src(%dma_wait3A_69 : memref<100x100xi32, #tpu.memory_space<hbm>>) dst(%arg8 : memref<100x100xi32, #tpu.memory_space<vmem>>)
      tpu.yield
    }) : () -> ()
    %barrier3A = arith.constant 0 : index
    tpu.barrier barrier_id(%barrier3A)
    %add3A_9 = arith.constant 0 : i32
    %add3A_10 = arith.addi %mul3A_2, %add3A_9 : i32
    %dma_start3A = arith.constant 0 : i32
    %dma_start3A_11 = tpu.memref_slice %arg2[%add3A_10, %dma_start3A] : memref<320000x128xf32, #tpu.memory_space<hbm>> -> memref<200x128xf32, #tpu.memory_space<hbm>>
    %dma_start3A_12 = arith.constant 0 : i32
    %dma_start3A_13 = tpu.memref_slice %arg2[%add3A_10, %dma_start3A_12] : memref<320000x128xf32, #tpu.memory_space<hbm>> -> memref<200x128xf32, #tpu.memory_space<hbm>>
    tpu.enqueue_dma source(%dma_start3A_13 : memref<200x128xf32, #tpu.memory_space<hbm>>) target(%arg5 : memref<200x128xf32, #tpu.memory_space<vmem>>) target_semaphore(%arg10 : memref<!tpu.dma_semaphore, #tpu.memory_space<semaphore_mem>>)
    %add3A_14 = arith.constant 200 : i32
    %add3A_15 = arith.addi %mul3A_2, %add3A_14 : i32
    %dma_start3A_16 = arith.constant 0 : i32
    %dma_start3A_17 = tpu.memref_slice %arg2[%add3A_15, %dma_start3A_16] : memref<320000x128xf32, #tpu.memory_space<hbm>> -> memref<200x128xf32, #tpu.memory_space<hbm>>
    %dma_start3A_18 = arith.constant 0 : i32
    %dma_start3A_19 = tpu.memref_slice %arg2[%add3A_15, %dma_start3A_18] : memref<320000x128xf32, #tpu.memory_space<hbm>> -> memref<200x128xf32, #tpu.memory_space<hbm>>
    tpu.enqueue_dma source(%dma_start3A_19 : memref<200x128xf32, #tpu.memory_space<hbm>>) target(%arg6 : memref<200x128xf32, #tpu.memory_space<vmem>>) target_semaphore(%arg11 : memref<!tpu.dma_semaphore, #tpu.memory_space<semaphore_mem>>)
    %add3A_20 = arith.constant 400 : i32
    %add3A_21 = arith.addi %mul3A_2, %add3A_20 : i32
    %dma_start3A_22 = arith.constant 0 : i32
    %dma_start3A_23 = tpu.memref_slice %arg2[%add3A_21, %dma_start3A_22] : memref<320000x128xf32, #tpu.memory_space<hbm>> -> memref<200x128xf32, #tpu.memory_space<hbm>>
    %dma_start3A_24 = arith.constant 0 : i32
    %dma_start3A_25 = tpu.memref_slice %arg2[%add3A_21, %dma_start3A_24] : memref<320000x128xf32, #tpu.memory_space<hbm>> -> memref<200x128xf32, #tpu.memory_space<hbm>>
    tpu.enqueue_dma source(%dma_start3A_25 : memref<200x128xf32, #tpu.memory_space<hbm>>) target(%arg7 : memref<200x128xf32, #tpu.memory_space<vmem>>) target_semaphore(%arg12 : memref<!tpu.dma_semaphore, #tpu.memory_space<semaphore_mem>>)
    %scan3A_26 = arith.constant 0 : i32
    %scan3A_27 = arith.constant 16 : i32
    %scan3A_28 = arith.addi %scan3A_26, %scan3A_27 : i32
    %scan3A_29 = arith.constant 1 : i32
    scf.for %scan3A_53 = %scan3A_26 to %scan3A_28 step %scan3A_29  : i32 {
      %mul3A_54 = arith.constant 3 : i32
      %mul3A_55 = arith.muli %scan3A_53, %mul3A_54 : i32
      %add3A_56 = arith.constant 0 : i32
      %add3A_57 = arith.addi %add3A_56, %mul3A_55 : i32
      %add3A_58 = arith.constant 0 : i32
      %add3A_59 = arith.addi %add3A_57, %add3A_58 : i32
      %mul3A_60 = arith.constant 200 : i32
      %mul3A_61 = arith.muli %add3A_59, %mul3A_60 : i32
      %add3A_62 = arith.addi %mul3A_2, %mul3A_61 : i32
      %dma_wait3A_63 = arith.constant 0 : i32
      %dma_wait3A_64 = tpu.memref_slice %arg2[%add3A_62, %dma_wait3A_63] : memref<320000x128xf32, #tpu.memory_space<hbm>> -> memref<200x128xf32, #tpu.memory_space<hbm>>
      %dma_wait3A_65 = arith.constant 0 : i32
      %dma_wait3A_66 = tpu.memref_slice %arg2[%add3A_62, %dma_wait3A_65] : memref<320000x128xf32, #tpu.memory_space<hbm>> -> memref<200x128xf32, #tpu.memory_space<hbm>>
      tpu.wait_dma2 semaphore(%arg10 : memref<!tpu.dma_semaphore, #tpu.memory_space<semaphore_mem>>) src(%dma_wait3A_66 : memref<200x128xf32, #tpu.memory_space<hbm>>) dst(%arg5 : memref<200x128xf32, #tpu.memory_space<vmem>>)
      %mul3A_67 = arith.constant 2 : i32
      %mul3A_68 = arith.muli %add3A_59, %mul3A_67 : i32
      %add3A_69 = arith.constant 0 : i32
      %add3A_70 = arith.addi %mul3A_68, %add3A_69 : i32
      "tpu.region"() ({
        %run_scoped3A_127 = tpu.sem_alloc : memref<!tpu.dma_semaphore, #tpu.memory_space<semaphore_mem>>
        %dma_start3A_128 = arith.constant 0 : i32
        %dma_start3A_129 = arith.constant 0 : i32
        %dma_start3A_130 = tpu.memref_slice %arg5[%dma_start3A_128, %dma_start3A_129] : memref<200x128xf32, #tpu.memory_space<vmem>> -> memref<100x128xf32, #tpu.memory_space<vmem>>
        %dma_start3A_131 = arith.constant 0 : i32
        %dma_start3A_132 = tpu.memref_slice %arg8[%add3A_70, %dma_start3A_131] : memref<100x100xi32, #tpu.memory_space<vmem>> -> memref<1x100xi32, #tpu.memory_space<vmem>>
        %dma_start3A_133 = tpu.memref_squeeze %dma_start3A_132 : memref<1x100xi32, #tpu.memory_space<vmem>> -> memref<100xi32, #tpu.memory_space<vmem>>
        %dma_start3A_134 = arith.constant 0 : i32
        %dma_start3A_135 = arith.constant 0 : i32
        %dma_start3A_136 = tpu.memref_slice %arg9[%dma_start3A_134, %dma_start3A_135] : memref<2048x128xf32, #tpu.memory_space<vmem_shared>> -> memref<2048x128xf32, #tpu.memory_space<vmem_shared>>
        tpu.enqueue_indirect_dma source(%dma_start3A_130 : memref<100x128xf32, #tpu.memory_space<vmem>>) target(%dma_start3A_136 : memref<2048x128xf32, #tpu.memory_space<vmem_shared>>) offsets(%dma_start3A_133 : memref<100xi32, #tpu.memory_space<vmem>>) semaphore(%run_scoped3A_127 : memref<!tpu.dma_semaphore, #tpu.memory_space<semaphore_mem>>) {add = true}
        %dma_wait3A_137 = arith.constant 0 : i32
        %dma_wait3A_138 = arith.constant 0 : i32
        %dma_wait3A_139 = tpu.memref_slice %arg5[%dma_wait3A_137, %dma_wait3A_138] : memref<200x128xf32, #tpu.memory_space<vmem>> -> memref<100x128xf32, #tpu.memory_space<vmem>>
        %dma_wait3A_140 = arith.constant 0 : i32
        %dma_wait3A_141 = tpu.memref_slice %arg8[%add3A_70, %dma_wait3A_140] : memref<100x100xi32, #tpu.memory_space<vmem>> -> memref<1x100xi32, #tpu.memory_space<vmem>>
        %dma_wait3A_142 = tpu.memref_squeeze %dma_wait3A_141 : memref<1x100xi32, #tpu.memory_space<vmem>> -> memref<100xi32, #tpu.memory_space<vmem>>
        %dma_wait3A_143 = arith.constant 0 : i32
        %dma_wait3A_144 = arith.constant 0 : i32
        %dma_wait3A_145 = tpu.memref_slice %arg9[%dma_wait3A_143, %dma_wait3A_144] : memref<2048x128xf32, #tpu.memory_space<vmem_shared>> -> memref<2048x128xf32, #tpu.memory_space<vmem_shared>>
        tpu.wait_indirect_dma semaphore(%run_scoped3A_127 : memref<!tpu.dma_semaphore, #tpu.memory_space<semaphore_mem>>) src(%dma_wait3A_139 : memref<100x128xf32, #tpu.memory_space<vmem>>) dst(%dma_wait3A_145 : memref<2048x128xf32, #tpu.memory_space<vmem_shared>>)
        tpu.yield
      }) : () -> ()
      %mul3A_71 = arith.constant 2 : i32
      %mul3A_72 = arith.muli %add3A_59, %mul3A_71 : i32
      %add3A_73 = arith.constant 1 : i32
      %add3A_74 = arith.addi %mul3A_72, %add3A_73 : i32
      "tpu.region"() ({
        %run_scoped3A_127 = tpu.sem_alloc : memref<!tpu.dma_semaphore, #tpu.memory_space<semaphore_mem>>
        %dma_start3A_128 = arith.constant 100 : i32
        %dma_start3A_129 = arith.constant 0 : i32
        %dma_start3A_130 = tpu.memref_slice %arg5[%dma_start3A_128, %dma_start3A_129] : memref<200x128xf32, #tpu.memory_space<vmem>> -> memref<100x128xf32, #tpu.memory_space<vmem>>
        %dma_start3A_131 = arith.constant 0 : i32
        %dma_start3A_132 = tpu.memref_slice %arg8[%add3A_74, %dma_start3A_131] : memref<100x100xi32, #tpu.memory_space<vmem>> -> memref<1x100xi32, #tpu.memory_space<vmem>>
        %dma_start3A_133 = tpu.memref_squeeze %dma_start3A_132 : memref<1x100xi32, #tpu.memory_space<vmem>> -> memref<100xi32, #tpu.memory_space<vmem>>
        %dma_start3A_134 = arith.constant 0 : i32
        %dma_start3A_135 = arith.constant 0 : i32
        %dma_start3A_136 = tpu.memref_slice %arg9[%dma_start3A_134, %dma_start3A_135] : memref<2048x128xf32, #tpu.memory_space<vmem_shared>> -> memref<2048x128xf32, #tpu.memory_space<vmem_shared>>
        tpu.enqueue_indirect_dma source(%dma_start3A_130 : memref<100x128xf32, #tpu.memory_space<vmem>>) target(%dma_start3A_136 : memref<2048x128xf32, #tpu.memory_space<vmem_shared>>) offsets(%dma_start3A_133 : memref<100xi32, #tpu.memory_space<vmem>>) semaphore(%run_scoped3A_127 : memref<!tpu.dma_semaphore, #tpu.memory_space<semaphore_mem>>) {add = true}
        %dma_wait3A_137 = arith.constant 100 : i32
        %dma_wait3A_138 = arith.constant 0 : i32
        %dma_wait3A_139 = tpu.memref_slice %arg5[%dma_wait3A_137, %dma_wait3A_138] : memref<200x128xf32, #tpu.memory_space<vmem>> -> memref<100x128xf32, #tpu.memory_space<vmem>>
        %dma_wait3A_140 = arith.constant 0 : i32
        %dma_wait3A_141 = tpu.memref_slice %arg8[%add3A_74, %dma_wait3A_140] : memref<100x100xi32, #tpu.memory_space<vmem>> -> memref<1x100xi32, #tpu.memory_space<vmem>>
        %dma_wait3A_142 = tpu.memref_squeeze %dma_wait3A_141 : memref<1x100xi32, #tpu.memory_space<vmem>> -> memref<100xi32, #tpu.memory_space<vmem>>
        %dma_wait3A_143 = arith.constant 0 : i32
        %dma_wait3A_144 = arith.constant 0 : i32
        %dma_wait3A_145 = tpu.memref_slice %arg9[%dma_wait3A_143, %dma_wait3A_144] : memref<2048x128xf32, #tpu.memory_space<vmem_shared>> -> memref<2048x128xf32, #tpu.memory_space<vmem_shared>>
        tpu.wait_indirect_dma semaphore(%run_scoped3A_127 : memref<!tpu.dma_semaphore, #tpu.memory_space<semaphore_mem>>) src(%dma_wait3A_139 : memref<100x128xf32, #tpu.memory_space<vmem>>) dst(%dma_wait3A_145 : memref<2048x128xf32, #tpu.memory_space<vmem_shared>>)
        tpu.yield
      }) : () -> ()
      %add3A_75 = arith.constant 3 : i32
      %add3A_76 = arith.addi %add3A_59, %add3A_75 : i32
      %lt3A = arith.constant 50 : i32
      %lt3A_77 = arith.cmpi slt, %add3A_76, %lt3A : i32
      %convert_element_type3A = arith.extui %lt3A_77 : i1 to i32
      %cond3A = arith.constant 0 : i32
      %cond3A_78 = arith.cmpi ne, %convert_element_type3A, %cond3A : i32
      scf.if %cond3A_78 {
        %add3A_127 = arith.constant 3 : i32
        %add3A_128 = arith.addi %add3A_59, %add3A_127 : i32
        %mul3A_129 = arith.constant 200 : i32
        %mul3A_130 = arith.muli %add3A_128, %mul3A_129 : i32
        %add3A_131 = arith.addi %mul3A_2, %mul3A_130 : i32
        %dma_start3A_132 = arith.constant 0 : i32
        %dma_start3A_133 = tpu.memref_slice %arg2[%add3A_131, %dma_start3A_132] : memref<320000x128xf32, #tpu.memory_space<hbm>> -> memref<200x128xf32, #tpu.memory_space<hbm>>
        %dma_start3A_134 = arith.constant 0 : i32
        %dma_start3A_135 = tpu.memref_slice %arg2[%add3A_131, %dma_start3A_134] : memref<320000x128xf32, #tpu.memory_space<hbm>> -> memref<200x128xf32, #tpu.memory_space<hbm>>
        tpu.enqueue_dma source(%dma_start3A_135 : memref<200x128xf32, #tpu.memory_space<hbm>>) target(%arg5 : memref<200x128xf32, #tpu.memory_space<vmem>>) target_semaphore(%arg10 : memref<!tpu.dma_semaphore, #tpu.memory_space<semaphore_mem>>)
      } else {
      }
      %add3A_79 = arith.constant 1 : i32
      %add3A_80 = arith.addi %add3A_57, %add3A_79 : i32
      %mul3A_81 = arith.constant 200 : i32
      %mul3A_82 = arith.muli %add3A_80, %mul3A_81 : i32
      %add3A_83 = arith.addi %mul3A_2, %mul3A_82 : i32
      %dma_wait3A_84 = arith.constant 0 : i32
      %dma_wait3A_85 = tpu.memref_slice %arg2[%add3A_83, %dma_wait3A_84] : memref<320000x128xf32, #tpu.memory_space<hbm>> -> memref<200x128xf32, #tpu.memory_space<hbm>>
      %dma_wait3A_86 = arith.constant 0 : i32
      %dma_wait3A_87 = tpu.memref_slice %arg2[%add3A_83, %dma_wait3A_86] : memref<320000x128xf32, #tpu.memory_space<hbm>> -> memref<200x128xf32, #tpu.memory_space<hbm>>
      tpu.wait_dma2 semaphore(%arg11 : memref<!tpu.dma_semaphore, #tpu.memory_space<semaphore_mem>>) src(%dma_wait3A_87 : memref<200x128xf32, #tpu.memory_space<hbm>>) dst(%arg6 : memref<200x128xf32, #tpu.memory_space<vmem>>)
      %mul3A_88 = arith.constant 2 : i32
      %mul3A_89 = arith.muli %add3A_80, %mul3A_88 : i32
      %add3A_90 = arith.constant 0 : i32
      %add3A_91 = arith.addi %mul3A_89, %add3A_90 : i32
      "tpu.region"() ({
        %run_scoped3A_127 = tpu.sem_alloc : memref<!tpu.dma_semaphore, #tpu.memory_space<semaphore_mem>>
        %dma_start3A_128 = arith.constant 0 : i32
        %dma_start3A_129 = arith.constant 0 : i32
        %dma_start3A_130 = tpu.memref_slice %arg6[%dma_start3A_128, %dma_start3A_129] : memref<200x128xf32, #tpu.memory_space<vmem>> -> memref<100x128xf32, #tpu.memory_space<vmem>>
        %dma_start3A_131 = arith.constant 0 : i32
        %dma_start3A_132 = tpu.memref_slice %arg8[%add3A_91, %dma_start3A_131] : memref<100x100xi32, #tpu.memory_space<vmem>> -> memref<1x100xi32, #tpu.memory_space<vmem>>
        %dma_start3A_133 = tpu.memref_squeeze %dma_start3A_132 : memref<1x100xi32, #tpu.memory_space<vmem>> -> memref<100xi32, #tpu.memory_space<vmem>>
        %dma_start3A_134 = arith.constant 0 : i32
        %dma_start3A_135 = arith.constant 0 : i32
        %dma_start3A_136 = tpu.memref_slice %arg9[%dma_start3A_134, %dma_start3A_135] : memref<2048x128xf32, #tpu.memory_space<vmem_shared>> -> memref<2048x128xf32, #tpu.memory_space<vmem_shared>>
        tpu.enqueue_indirect_dma source(%dma_start3A_130 : memref<100x128xf32, #tpu.memory_space<vmem>>) target(%dma_start3A_136 : memref<2048x128xf32, #tpu.memory_space<vmem_shared>>) offsets(%dma_start3A_133 : memref<100xi32, #tpu.memory_space<vmem>>) semaphore(%run_scoped3A_127 : memref<!tpu.dma_semaphore, #tpu.memory_space<semaphore_mem>>) {add = true}
        %dma_wait3A_137 = arith.constant 0 : i32
        %dma_wait3A_138 = arith.constant 0 : i32
        %dma_wait3A_139 = tpu.memref_slice %arg6[%dma_wait3A_137, %dma_wait3A_138] : memref<200x128xf32, #tpu.memory_space<vmem>> -> memref<100x128xf32, #tpu.memory_space<vmem>>
        %dma_wait3A_140 = arith.constant 0 : i32
        %dma_wait3A_141 = tpu.memref_slice %arg8[%add3A_91, %dma_wait3A_140] : memref<100x100xi32, #tpu.memory_space<vmem>> -> memref<1x100xi32, #tpu.memory_space<vmem>>
        %dma_wait3A_142 = tpu.memref_squeeze %dma_wait3A_141 : memref<1x100xi32, #tpu.memory_space<vmem>> -> memref<100xi32, #tpu.memory_space<vmem>>
        %dma_wait3A_143 = arith.constant 0 : i32
        %dma_wait3A_144 = arith.constant 0 : i32
        %dma_wait3A_145 = tpu.memref_slice %arg9[%dma_wait3A_143, %dma_wait3A_144] : memref<2048x128xf32, #tpu.memory_space<vmem_shared>> -> memref<2048x128xf32, #tpu.memory_space<vmem_shared>>
        tpu.wait_indirect_dma semaphore(%run_scoped3A_127 : memref<!tpu.dma_semaphore, #tpu.memory_space<semaphore_mem>>) src(%dma_wait3A_139 : memref<100x128xf32, #tpu.memory_space<vmem>>) dst(%dma_wait3A_145 : memref<2048x128xf32, #tpu.memory_space<vmem_shared>>)
        tpu.yield
      }) : () -> ()
      %mul3A_92 = arith.constant 2 : i32
      %mul3A_93 = arith.muli %add3A_80, %mul3A_92 : i32
      %add3A_94 = arith.constant 1 : i32
      %add3A_95 = arith.addi %mul3A_93, %add3A_94 : i32
      "tpu.region"() ({
        %run_scoped3A_127 = tpu.sem_alloc : memref<!tpu.dma_semaphore, #tpu.memory_space<semaphore_mem>>
        %dma_start3A_128 = arith.constant 100 : i32
        %dma_start3A_129 = arith.constant 0 : i32
        %dma_start3A_130 = tpu.memref_slice %arg6[%dma_start3A_128, %dma_start3A_129] : memref<200x128xf32, #tpu.memory_space<vmem>> -> memref<100x128xf32, #tpu.memory_space<vmem>>
        %dma_start3A_131 = arith.constant 0 : i32
        %dma_start3A_132 = tpu.memref_slice %arg8[%add3A_95, %dma_start3A_131] : memref<100x100xi32, #tpu.memory_space<vmem>> -> memref<1x100xi32, #tpu.memory_space<vmem>>
        %dma_start3A_133 = tpu.memref_squeeze %dma_start3A_132 : memref<1x100xi32, #tpu.memory_space<vmem>> -> memref<100xi32, #tpu.memory_space<vmem>>
        %dma_start3A_134 = arith.constant 0 : i32
        %dma_start3A_135 = arith.constant 0 : i32
        %dma_start3A_136 = tpu.memref_slice %arg9[%dma_start3A_134, %dma_start3A_135] : memref<2048x128xf32, #tpu.memory_space<vmem_shared>> -> memref<2048x128xf32, #tpu.memory_space<vmem_shared>>
        tpu.enqueue_indirect_dma source(%dma_start3A_130 : memref<100x128xf32, #tpu.memory_space<vmem>>) target(%dma_start3A_136 : memref<2048x128xf32, #tpu.memory_space<vmem_shared>>) offsets(%dma_start3A_133 : memref<100xi32, #tpu.memory_space<vmem>>) semaphore(%run_scoped3A_127 : memref<!tpu.dma_semaphore, #tpu.memory_space<semaphore_mem>>) {add = true}
        %dma_wait3A_137 = arith.constant 100 : i32
        %dma_wait3A_138 = arith.constant 0 : i32
        %dma_wait3A_139 = tpu.memref_slice %arg6[%dma_wait3A_137, %dma_wait3A_138] : memref<200x128xf32, #tpu.memory_space<vmem>> -> memref<100x128xf32, #tpu.memory_space<vmem>>
        %dma_wait3A_140 = arith.constant 0 : i32
        %dma_wait3A_141 = tpu.memref_slice %arg8[%add3A_95, %dma_wait3A_140] : memref<100x100xi32, #tpu.memory_space<vmem>> -> memref<1x100xi32, #tpu.memory_space<vmem>>
        %dma_wait3A_142 = tpu.memref_squeeze %dma_wait3A_141 : memref<1x100xi32, #tpu.memory_space<vmem>> -> memref<100xi32, #tpu.memory_space<vmem>>
        %dma_wait3A_143 = arith.constant 0 : i32
        %dma_wait3A_144 = arith.constant 0 : i32
        %dma_wait3A_145 = tpu.memref_slice %arg9[%dma_wait3A_143, %dma_wait3A_144] : memref<2048x128xf32, #tpu.memory_space<vmem_shared>> -> memref<2048x128xf32, #tpu.memory_space<vmem_shared>>
        tpu.wait_indirect_dma semaphore(%run_scoped3A_127 : memref<!tpu.dma_semaphore, #tpu.memory_space<semaphore_mem>>) src(%dma_wait3A_139 : memref<100x128xf32, #tpu.memory_space<vmem>>) dst(%dma_wait3A_145 : memref<2048x128xf32, #tpu.memory_space<vmem_shared>>)
        tpu.yield
      }) : () -> ()
      %add3A_96 = arith.constant 3 : i32
      %add3A_97 = arith.addi %add3A_80, %add3A_96 : i32
      %lt3A_98 = arith.constant 50 : i32
      %lt3A_99 = arith.cmpi slt, %add3A_97, %lt3A_98 : i32
      %convert_element_type3A_100 = arith.extui %lt3A_99 : i1 to i32
      %cond3A_101 = arith.constant 0 : i32
      %cond3A_102 = arith.cmpi ne, %convert_element_type3A_100, %cond3A_101 : i32
      scf.if %cond3A_102 {
        %add3A_127 = arith.constant 3 : i32
        %add3A_128 = arith.addi %add3A_80, %add3A_127 : i32
        %mul3A_129 = arith.constant 200 : i32
        %mul3A_130 = arith.muli %add3A_128, %mul3A_129 : i32
        %add3A_131 = arith.addi %mul3A_2, %mul3A_130 : i32
        %dma_start3A_132 = arith.constant 0 : i32
        %dma_start3A_133 = tpu.memref_slice %arg2[%add3A_131, %dma_start3A_132] : memref<320000x128xf32, #tpu.memory_space<hbm>> -> memref<200x128xf32, #tpu.memory_space<hbm>>
        %dma_start3A_134 = arith.constant 0 : i32
        %dma_start3A_135 = tpu.memref_slice %arg2[%add3A_131, %dma_start3A_134] : memref<320000x128xf32, #tpu.memory_space<hbm>> -> memref<200x128xf32, #tpu.memory_space<hbm>>
        tpu.enqueue_dma source(%dma_start3A_135 : memref<200x128xf32, #tpu.memory_space<hbm>>) target(%arg6 : memref<200x128xf32, #tpu.memory_space<vmem>>) target_semaphore(%arg11 : memref<!tpu.dma_semaphore, #tpu.memory_space<semaphore_mem>>)
      } else {
      }
      %add3A_103 = arith.constant 2 : i32
      %add3A_104 = arith.addi %add3A_57, %add3A_103 : i32
      %mul3A_105 = arith.constant 200 : i32
      %mul3A_106 = arith.muli %add3A_104, %mul3A_105 : i32
      %add3A_107 = arith.addi %mul3A_2, %mul3A_106 : i32
      %dma_wait3A_108 = arith.constant 0 : i32
      %dma_wait3A_109 = tpu.memref_slice %arg2[%add3A_107, %dma_wait3A_108] : memref<320000x128xf32, #tpu.memory_space<hbm>> -> memref<200x128xf32, #tpu.memory_space<hbm>>
      %dma_wait3A_110 = arith.constant 0 : i32
      %dma_wait3A_111 = tpu.memref_slice %arg2[%add3A_107, %dma_wait3A_110] : memref<320000x128xf32, #tpu.memory_space<hbm>> -> memref<200x128xf32, #tpu.memory_space<hbm>>
      tpu.wait_dma2 semaphore(%arg12 : memref<!tpu.dma_semaphore, #tpu.memory_space<semaphore_mem>>) src(%dma_wait3A_111 : memref<200x128xf32, #tpu.memory_space<hbm>>) dst(%arg7 : memref<200x128xf32, #tpu.memory_space<vmem>>)
      %mul3A_112 = arith.constant 2 : i32
      %mul3A_113 = arith.muli %add3A_104, %mul3A_112 : i32
      %add3A_114 = arith.constant 0 : i32
      %add3A_115 = arith.addi %mul3A_113, %add3A_114 : i32
      "tpu.region"() ({
        %run_scoped3A_127 = tpu.sem_alloc : memref<!tpu.dma_semaphore, #tpu.memory_space<semaphore_mem>>
        %dma_start3A_128 = arith.constant 0 : i32
        %dma_start3A_129 = arith.constant 0 : i32
        %dma_start3A_130 = tpu.memref_slice %arg7[%dma_start3A_128, %dma_start3A_129] : memref<200x128xf32, #tpu.memory_space<vmem>> -> memref<100x128xf32, #tpu.memory_space<vmem>>
        %dma_start3A_131 = arith.constant 0 : i32
        %dma_start3A_132 = tpu.memref_slice %arg8[%add3A_115, %dma_start3A_131] : memref<100x100xi32, #tpu.memory_space<vmem>> -> memref<1x100xi32, #tpu.memory_space<vmem>>
        %dma_start3A_133 = tpu.memref_squeeze %dma_start3A_132 : memref<1x100xi32, #tpu.memory_space<vmem>> -> memref<100xi32, #tpu.memory_space<vmem>>
        %dma_start3A_134 = arith.constant 0 : i32
        %dma_start3A_135 = arith.constant 0 : i32
        %dma_start3A_136 = tpu.memref_slice %arg9[%dma_start3A_134, %dma_start3A_135] : memref<2048x128xf32, #tpu.memory_space<vmem_shared>> -> memref<2048x128xf32, #tpu.memory_space<vmem_shared>>
        tpu.enqueue_indirect_dma source(%dma_start3A_130 : memref<100x128xf32, #tpu.memory_space<vmem>>) target(%dma_start3A_136 : memref<2048x128xf32, #tpu.memory_space<vmem_shared>>) offsets(%dma_start3A_133 : memref<100xi32, #tpu.memory_space<vmem>>) semaphore(%run_scoped3A_127 : memref<!tpu.dma_semaphore, #tpu.memory_space<semaphore_mem>>) {add = true}
        %dma_wait3A_137 = arith.constant 0 : i32
        %dma_wait3A_138 = arith.constant 0 : i32
        %dma_wait3A_139 = tpu.memref_slice %arg7[%dma_wait3A_137, %dma_wait3A_138] : memref<200x128xf32, #tpu.memory_space<vmem>> -> memref<100x128xf32, #tpu.memory_space<vmem>>
        %dma_wait3A_140 = arith.constant 0 : i32
        %dma_wait3A_141 = tpu.memref_slice %arg8[%add3A_115, %dma_wait3A_140] : memref<100x100xi32, #tpu.memory_space<vmem>> -> memref<1x100xi32, #tpu.memory_space<vmem>>
        %dma_wait3A_142 = tpu.memref_squeeze %dma_wait3A_141 : memref<1x100xi32, #tpu.memory_space<vmem>> -> memref<100xi32, #tpu.memory_space<vmem>>
        %dma_wait3A_143 = arith.constant 0 : i32
        %dma_wait3A_144 = arith.constant 0 : i32
        %dma_wait3A_145 = tpu.memref_slice %arg9[%dma_wait3A_143, %dma_wait3A_144] : memref<2048x128xf32, #tpu.memory_space<vmem_shared>> -> memref<2048x128xf32, #tpu.memory_space<vmem_shared>>
        tpu.wait_indirect_dma semaphore(%run_scoped3A_127 : memref<!tpu.dma_semaphore, #tpu.memory_space<semaphore_mem>>) src(%dma_wait3A_139 : memref<100x128xf32, #tpu.memory_space<vmem>>) dst(%dma_wait3A_145 : memref<2048x128xf32, #tpu.memory_space<vmem_shared>>)
        tpu.yield
      }) : () -> ()
      %mul3A_116 = arith.constant 2 : i32
      %mul3A_117 = arith.muli %add3A_104, %mul3A_116 : i32
      %add3A_118 = arith.constant 1 : i32
      %add3A_119 = arith.addi %mul3A_117, %add3A_118 : i32
      "tpu.region"() ({
        %run_scoped3A_127 = tpu.sem_alloc : memref<!tpu.dma_semaphore, #tpu.memory_space<semaphore_mem>>
        %dma_start3A_128 = arith.constant 100 : i32
        %dma_start3A_129 = arith.constant 0 : i32
        %dma_start3A_130 = tpu.memref_slice %arg7[%dma_start3A_128, %dma_start3A_129] : memref<200x128xf32, #tpu.memory_space<vmem>> -> memref<100x128xf32, #tpu.memory_space<vmem>>
        %dma_start3A_131 = arith.constant 0 : i32
        %dma_start3A_132 = tpu.memref_slice %arg8[%add3A_119, %dma_start3A_131] : memref<100x100xi32, #tpu.memory_space<vmem>> -> memref<1x100xi32, #tpu.memory_space<vmem>>
        %dma_start3A_133 = tpu.memref_squeeze %dma_start3A_132 : memref<1x100xi32, #tpu.memory_space<vmem>> -> memref<100xi32, #tpu.memory_space<vmem>>
        %dma_start3A_134 = arith.constant 0 : i32
        %dma_start3A_135 = arith.constant 0 : i32
        %dma_start3A_136 = tpu.memref_slice %arg9[%dma_start3A_134, %dma_start3A_135] : memref<2048x128xf32, #tpu.memory_space<vmem_shared>> -> memref<2048x128xf32, #tpu.memory_space<vmem_shared>>
        tpu.enqueue_indirect_dma source(%dma_start3A_130 : memref<100x128xf32, #tpu.memory_space<vmem>>) target(%dma_start3A_136 : memref<2048x128xf32, #tpu.memory_space<vmem_shared>>) offsets(%dma_start3A_133 : memref<100xi32, #tpu.memory_space<vmem>>) semaphore(%run_scoped3A_127 : memref<!tpu.dma_semaphore, #tpu.memory_space<semaphore_mem>>) {add = true}
        %dma_wait3A_137 = arith.constant 100 : i32
        %dma_wait3A_138 = arith.constant 0 : i32
        %dma_wait3A_139 = tpu.memref_slice %arg7[%dma_wait3A_137, %dma_wait3A_138] : memref<200x128xf32, #tpu.memory_space<vmem>> -> memref<100x128xf32, #tpu.memory_space<vmem>>
        %dma_wait3A_140 = arith.constant 0 : i32
        %dma_wait3A_141 = tpu.memref_slice %arg8[%add3A_119, %dma_wait3A_140] : memref<100x100xi32, #tpu.memory_space<vmem>> -> memref<1x100xi32, #tpu.memory_space<vmem>>
        %dma_wait3A_142 = tpu.memref_squeeze %dma_wait3A_141 : memref<1x100xi32, #tpu.memory_space<vmem>> -> memref<100xi32, #tpu.memory_space<vmem>>
        %dma_wait3A_143 = arith.constant 0 : i32
        %dma_wait3A_144 = arith.constant 0 : i32
        %dma_wait3A_145 = tpu.memref_slice %arg9[%dma_wait3A_143, %dma_wait3A_144] : memref<2048x128xf32, #tpu.memory_space<vmem_shared>> -> memref<2048x128xf32, #tpu.memory_space<vmem_shared>>
        tpu.wait_indirect_dma semaphore(%run_scoped3A_127 : memref<!tpu.dma_semaphore, #tpu.memory_space<semaphore_mem>>) src(%dma_wait3A_139 : memref<100x128xf32, #tpu.memory_space<vmem>>) dst(%dma_wait3A_145 : memref<2048x128xf32, #tpu.memory_space<vmem_shared>>)
        tpu.yield
      }) : () -> ()
      %add3A_120 = arith.constant 3 : i32
      %add3A_121 = arith.addi %add3A_104, %add3A_120 : i32
      %lt3A_122 = arith.constant 50 : i32
      %lt3A_123 = arith.cmpi slt, %add3A_121, %lt3A_122 : i32
      %convert_element_type3A_124 = arith.extui %lt3A_123 : i1 to i32
      %cond3A_125 = arith.constant 0 : i32
      %cond3A_126 = arith.cmpi ne, %convert_element_type3A_124, %cond3A_125 : i32
      scf.if %cond3A_126 {
        %add3A_127 = arith.constant 3 : i32
        %add3A_128 = arith.addi %add3A_104, %add3A_127 : i32
        %mul3A_129 = arith.constant 200 : i32
        %mul3A_130 = arith.muli %add3A_128, %mul3A_129 : i32
        %add3A_131 = arith.addi %mul3A_2, %mul3A_130 : i32
        %dma_start3A_132 = arith.constant 0 : i32
        %dma_start3A_133 = tpu.memref_slice %arg2[%add3A_131, %dma_start3A_132] : memref<320000x128xf32, #tpu.memory_space<hbm>> -> memref<200x128xf32, #tpu.memory_space<hbm>>
        %dma_start3A_134 = arith.constant 0 : i32
        %dma_start3A_135 = tpu.memref_slice %arg2[%add3A_131, %dma_start3A_134] : memref<320000x128xf32, #tpu.memory_space<hbm>> -> memref<200x128xf32, #tpu.memory_space<hbm>>
        tpu.enqueue_dma source(%dma_start3A_135 : memref<200x128xf32, #tpu.memory_space<hbm>>) target(%arg7 : memref<200x128xf32, #tpu.memory_space<vmem>>) target_semaphore(%arg12 : memref<!tpu.dma_semaphore, #tpu.memory_space<semaphore_mem>>)
      } else {
      }
    }
    %scan3A_30 = arith.constant 16 : i32
    %add3A_31 = arith.constant 9600 : i32
    %add3A_32 = arith.addi %mul3A_2, %add3A_31 : i32
    %dma_wait3A = arith.constant 0 : i32
    %dma_wait3A_33 = tpu.memref_slice %arg2[%add3A_32, %dma_wait3A] : memref<320000x128xf32, #tpu.memory_space<hbm>> -> memref<200x128xf32, #tpu.memory_space<hbm>>
    %dma_wait3A_34 = arith.constant 0 : i32
    %dma_wait3A_35 = tpu.memref_slice %arg2[%add3A_32, %dma_wait3A_34] : memref<320000x128xf32, #tpu.memory_space<hbm>> -> memref<200x128xf32, #tpu.memory_space<hbm>>
    tpu.wait_dma2 semaphore(%arg10 : memref<!tpu.dma_semaphore, #tpu.memory_space<semaphore_mem>>) src(%dma_wait3A_35 : memref<200x128xf32, #tpu.memory_space<hbm>>) dst(%arg5 : memref<200x128xf32, #tpu.memory_space<vmem>>)
    %run_scoped3A = arith.constant 96 : i32
    "tpu.region"() ({
      %run_scoped3A_53 = tpu.sem_alloc : memref<!tpu.dma_semaphore, #tpu.memory_space<semaphore_mem>>
      %dma_start3A_54 = arith.constant 0 : i32
      %dma_start3A_55 = arith.constant 0 : i32
      %dma_start3A_56 = tpu.memref_slice %arg5[%dma_start3A_54, %dma_start3A_55] : memref<200x128xf32, #tpu.memory_space<vmem>> -> memref<100x128xf32, #tpu.memory_space<vmem>>
      %dma_start3A_57 = arith.constant 0 : i32
      %dma_start3A_58 = tpu.memref_slice %arg8[%run_scoped3A, %dma_start3A_57] : memref<100x100xi32, #tpu.memory_space<vmem>> -> memref<1x100xi32, #tpu.memory_space<vmem>>
      %dma_start3A_59 = tpu.memref_squeeze %dma_start3A_58 : memref<1x100xi32, #tpu.memory_space<vmem>> -> memref<100xi32, #tpu.memory_space<vmem>>
      %dma_start3A_60 = arith.constant 0 : i32
      %dma_start3A_61 = arith.constant 0 : i32
      %dma_start3A_62 = tpu.memref_slice %arg9[%dma_start3A_60, %dma_start3A_61] : memref<2048x128xf32, #tpu.memory_space<vmem_shared>> -> memref<2048x128xf32, #tpu.memory_space<vmem_shared>>
      tpu.enqueue_indirect_dma source(%dma_start3A_56 : memref<100x128xf32, #tpu.memory_space<vmem>>) target(%dma_start3A_62 : memref<2048x128xf32, #tpu.memory_space<vmem_shared>>) offsets(%dma_start3A_59 : memref<100xi32, #tpu.memory_space<vmem>>) semaphore(%run_scoped3A_53 : memref<!tpu.dma_semaphore, #tpu.memory_space<semaphore_mem>>) {add = true}
      %dma_wait3A_63 = arith.constant 0 : i32
      %dma_wait3A_64 = arith.constant 0 : i32
      %dma_wait3A_65 = tpu.memref_slice %arg5[%dma_wait3A_63, %dma_wait3A_64] : memref<200x128xf32, #tpu.memory_space<vmem>> -> memref<100x128xf32, #tpu.memory_space<vmem>>
      %dma_wait3A_66 = arith.constant 0 : i32
      %dma_wait3A_67 = tpu.memref_slice %arg8[%run_scoped3A, %dma_wait3A_66] : memref<100x100xi32, #tpu.memory_space<vmem>> -> memref<1x100xi32, #tpu.memory_space<vmem>>
      %dma_wait3A_68 = tpu.memref_squeeze %dma_wait3A_67 : memref<1x100xi32, #tpu.memory_space<vmem>> -> memref<100xi32, #tpu.memory_space<vmem>>
      %dma_wait3A_69 = arith.constant 0 : i32
      %dma_wait3A_70 = arith.constant 0 : i32
      %dma_wait3A_71 = tpu.memref_slice %arg9[%dma_wait3A_69, %dma_wait3A_70] : memref<2048x128xf32, #tpu.memory_space<vmem_shared>> -> memref<2048x128xf32, #tpu.memory_space<vmem_shared>>
      tpu.wait_indirect_dma semaphore(%run_scoped3A_53 : memref<!tpu.dma_semaphore, #tpu.memory_space<semaphore_mem>>) src(%dma_wait3A_65 : memref<100x128xf32, #tpu.memory_space<vmem>>) dst(%dma_wait3A_71 : memref<2048x128xf32, #tpu.memory_space<vmem_shared>>)
      tpu.yield
    }) : () -> ()
    %run_scoped3A_36 = arith.constant 97 : i32
    "tpu.region"() ({
      %run_scoped3A_53 = tpu.sem_alloc : memref<!tpu.dma_semaphore, #tpu.memory_space<semaphore_mem>>
      %dma_start3A_54 = arith.constant 100 : i32
      %dma_start3A_55 = arith.constant 0 : i32
      %dma_start3A_56 = tpu.memref_slice %arg5[%dma_start3A_54, %dma_start3A_55] : memref<200x128xf32, #tpu.memory_space<vmem>> -> memref<100x128xf32, #tpu.memory_space<vmem>>
      %dma_start3A_57 = arith.constant 0 : i32
      %dma_start3A_58 = tpu.memref_slice %arg8[%run_scoped3A_36, %dma_start3A_57] : memref<100x100xi32, #tpu.memory_space<vmem>> -> memref<1x100xi32, #tpu.memory_space<vmem>>
      %dma_start3A_59 = tpu.memref_squeeze %dma_start3A_58 : memref<1x100xi32, #tpu.memory_space<vmem>> -> memref<100xi32, #tpu.memory_space<vmem>>
      %dma_start3A_60 = arith.constant 0 : i32
      %dma_start3A_61 = arith.constant 0 : i32
      %dma_start3A_62 = tpu.memref_slice %arg9[%dma_start3A_60, %dma_start3A_61] : memref<2048x128xf32, #tpu.memory_space<vmem_shared>> -> memref<2048x128xf32, #tpu.memory_space<vmem_shared>>
      tpu.enqueue_indirect_dma source(%dma_start3A_56 : memref<100x128xf32, #tpu.memory_space<vmem>>) target(%dma_start3A_62 : memref<2048x128xf32, #tpu.memory_space<vmem_shared>>) offsets(%dma_start3A_59 : memref<100xi32, #tpu.memory_space<vmem>>) semaphore(%run_scoped3A_53 : memref<!tpu.dma_semaphore, #tpu.memory_space<semaphore_mem>>) {add = true}
      %dma_wait3A_63 = arith.constant 100 : i32
      %dma_wait3A_64 = arith.constant 0 : i32
      %dma_wait3A_65 = tpu.memref_slice %arg5[%dma_wait3A_63, %dma_wait3A_64] : memref<200x128xf32, #tpu.memory_space<vmem>> -> memref<100x128xf32, #tpu.memory_space<vmem>>
      %dma_wait3A_66 = arith.constant 0 : i32
      %dma_wait3A_67 = tpu.memref_slice %arg8[%run_scoped3A_36, %dma_wait3A_66] : memref<100x100xi32, #tpu.memory_space<vmem>> -> memref<1x100xi32, #tpu.memory_space<vmem>>
      %dma_wait3A_68 = tpu.memref_squeeze %dma_wait3A_67 : memref<1x100xi32, #tpu.memory_space<vmem>> -> memref<100xi32, #tpu.memory_space<vmem>>
      %dma_wait3A_69 = arith.constant 0 : i32
      %dma_wait3A_70 = arith.constant 0 : i32
      %dma_wait3A_71 = tpu.memref_slice %arg9[%dma_wait3A_69, %dma_wait3A_70] : memref<2048x128xf32, #tpu.memory_space<vmem_shared>> -> memref<2048x128xf32, #tpu.memory_space<vmem_shared>>
      tpu.wait_indirect_dma semaphore(%run_scoped3A_53 : memref<!tpu.dma_semaphore, #tpu.memory_space<semaphore_mem>>) src(%dma_wait3A_65 : memref<100x128xf32, #tpu.memory_space<vmem>>) dst(%dma_wait3A_71 : memref<2048x128xf32, #tpu.memory_space<vmem_shared>>)
      tpu.yield
    }) : () -> ()
    %add3A_37 = arith.constant 9800 : i32
    %add3A_38 = arith.addi %mul3A_2, %add3A_37 : i32
    %dma_wait3A_39 = arith.constant 0 : i32
    %dma_wait3A_40 = tpu.memref_slice %arg2[%add3A_38, %dma_wait3A_39] : memref<320000x128xf32, #tpu.memory_space<hbm>> -> memref<200x128xf32, #tpu.memory_space<hbm>>
    %dma_wait3A_41 = arith.constant 0 : i32
    %dma_wait3A_42 = tpu.memref_slice %arg2[%add3A_38, %dma_wait3A_41] : memref<320000x128xf32, #tpu.memory_space<hbm>> -> memref<200x128xf32, #tpu.memory_space<hbm>>
    tpu.wait_dma2 semaphore(%arg11 : memref<!tpu.dma_semaphore, #tpu.memory_space<semaphore_mem>>) src(%dma_wait3A_42 : memref<200x128xf32, #tpu.memory_space<hbm>>) dst(%arg6 : memref<200x128xf32, #tpu.memory_space<vmem>>)
    %run_scoped3A_43 = arith.constant 98 : i32
    "tpu.region"() ({
      %run_scoped3A_53 = tpu.sem_alloc : memref<!tpu.dma_semaphore, #tpu.memory_space<semaphore_mem>>
      %dma_start3A_54 = arith.constant 0 : i32
      %dma_start3A_55 = arith.constant 0 : i32
      %dma_start3A_56 = tpu.memref_slice %arg6[%dma_start3A_54, %dma_start3A_55] : memref<200x128xf32, #tpu.memory_space<vmem>> -> memref<100x128xf32, #tpu.memory_space<vmem>>
      %dma_start3A_57 = arith.constant 0 : i32
      %dma_start3A_58 = tpu.memref_slice %arg8[%run_scoped3A_43, %dma_start3A_57] : memref<100x100xi32, #tpu.memory_space<vmem>> -> memref<1x100xi32, #tpu.memory_space<vmem>>
      %dma_start3A_59 = tpu.memref_squeeze %dma_start3A_58 : memref<1x100xi32, #tpu.memory_space<vmem>> -> memref<100xi32, #tpu.memory_space<vmem>>
      %dma_start3A_60 = arith.constant 0 : i32
      %dma_start3A_61 = arith.constant 0 : i32
      %dma_start3A_62 = tpu.memref_slice %arg9[%dma_start3A_60, %dma_start3A_61] : memref<2048x128xf32, #tpu.memory_space<vmem_shared>> -> memref<2048x128xf32, #tpu.memory_space<vmem_shared>>
      tpu.enqueue_indirect_dma source(%dma_start3A_56 : memref<100x128xf32, #tpu.memory_space<vmem>>) target(%dma_start3A_62 : memref<2048x128xf32, #tpu.memory_space<vmem_shared>>) offsets(%dma_start3A_59 : memref<100xi32, #tpu.memory_space<vmem>>) semaphore(%run_scoped3A_53 : memref<!tpu.dma_semaphore, #tpu.memory_space<semaphore_mem>>) {add = true}
      %dma_wait3A_63 = arith.constant 0 : i32
      %dma_wait3A_64 = arith.constant 0 : i32
      %dma_wait3A_65 = tpu.memref_slice %arg6[%dma_wait3A_63, %dma_wait3A_64] : memref<200x128xf32, #tpu.memory_space<vmem>> -> memref<100x128xf32, #tpu.memory_space<vmem>>
      %dma_wait3A_66 = arith.constant 0 : i32
      %dma_wait3A_67 = tpu.memref_slice %arg8[%run_scoped3A_43, %dma_wait3A_66] : memref<100x100xi32, #tpu.memory_space<vmem>> -> memref<1x100xi32, #tpu.memory_space<vmem>>
      %dma_wait3A_68 = tpu.memref_squeeze %dma_wait3A_67 : memref<1x100xi32, #tpu.memory_space<vmem>> -> memref<100xi32, #tpu.memory_space<vmem>>
      %dma_wait3A_69 = arith.constant 0 : i32
      %dma_wait3A_70 = arith.constant 0 : i32
      %dma_wait3A_71 = tpu.memref_slice %arg9[%dma_wait3A_69, %dma_wait3A_70] : memref<2048x128xf32, #tpu.memory_space<vmem_shared>> -> memref<2048x128xf32, #tpu.memory_space<vmem_shared>>
      tpu.wait_indirect_dma semaphore(%run_scoped3A_53 : memref<!tpu.dma_semaphore, #tpu.memory_space<semaphore_mem>>) src(%dma_wait3A_65 : memref<100x128xf32, #tpu.memory_space<vmem>>) dst(%dma_wait3A_71 : memref<2048x128xf32, #tpu.memory_space<vmem_shared>>)
      tpu.yield
    }) : () -> ()
    %run_scoped3A_44 = arith.constant 99 : i32
    "tpu.region"() ({
      %run_scoped3A_53 = tpu.sem_alloc : memref<!tpu.dma_semaphore, #tpu.memory_space<semaphore_mem>>
      %dma_start3A_54 = arith.constant 100 : i32
      %dma_start3A_55 = arith.constant 0 : i32
      %dma_start3A_56 = tpu.memref_slice %arg6[%dma_start3A_54, %dma_start3A_55] : memref<200x128xf32, #tpu.memory_space<vmem>> -> memref<100x128xf32, #tpu.memory_space<vmem>>
      %dma_start3A_57 = arith.constant 0 : i32
      %dma_start3A_58 = tpu.memref_slice %arg8[%run_scoped3A_44, %dma_start3A_57] : memref<100x100xi32, #tpu.memory_space<vmem>> -> memref<1x100xi32, #tpu.memory_space<vmem>>
      %dma_start3A_59 = tpu.memref_squeeze %dma_start3A_58 : memref<1x100xi32, #tpu.memory_space<vmem>> -> memref<100xi32, #tpu.memory_space<vmem>>
      %dma_start3A_60 = arith.constant 0 : i32
      %dma_start3A_61 = arith.constant 0 : i32
      %dma_start3A_62 = tpu.memref_slice %arg9[%dma_start3A_60, %dma_start3A_61] : memref<2048x128xf32, #tpu.memory_space<vmem_shared>> -> memref<2048x128xf32, #tpu.memory_space<vmem_shared>>
      tpu.enqueue_indirect_dma source(%dma_start3A_56 : memref<100x128xf32, #tpu.memory_space<vmem>>) target(%dma_start3A_62 : memref<2048x128xf32, #tpu.memory_space<vmem_shared>>) offsets(%dma_start3A_59 : memref<100xi32, #tpu.memory_space<vmem>>) semaphore(%run_scoped3A_53 : memref<!tpu.dma_semaphore, #tpu.memory_space<semaphore_mem>>) {add = true}
      %dma_wait3A_63 = arith.constant 100 : i32
      %dma_wait3A_64 = arith.constant 0 : i32
      %dma_wait3A_65 = tpu.memref_slice %arg6[%dma_wait3A_63, %dma_wait3A_64] : memref<200x128xf32, #tpu.memory_space<vmem>> -> memref<100x128xf32, #tpu.memory_space<vmem>>
      %dma_wait3A_66 = arith.constant 0 : i32
      %dma_wait3A_67 = tpu.memref_slice %arg8[%run_scoped3A_44, %dma_wait3A_66] : memref<100x100xi32, #tpu.memory_space<vmem>> -> memref<1x100xi32, #tpu.memory_space<vmem>>
      %dma_wait3A_68 = tpu.memref_squeeze %dma_wait3A_67 : memref<1x100xi32, #tpu.memory_space<vmem>> -> memref<100xi32, #tpu.memory_space<vmem>>
      %dma_wait3A_69 = arith.constant 0 : i32
      %dma_wait3A_70 = arith.constant 0 : i32
      %dma_wait3A_71 = tpu.memref_slice %arg9[%dma_wait3A_69, %dma_wait3A_70] : memref<2048x128xf32, #tpu.memory_space<vmem_shared>> -> memref<2048x128xf32, #tpu.memory_space<vmem_shared>>
      tpu.wait_indirect_dma semaphore(%run_scoped3A_53 : memref<!tpu.dma_semaphore, #tpu.memory_space<semaphore_mem>>) src(%dma_wait3A_65 : memref<100x128xf32, #tpu.memory_space<vmem>>) dst(%dma_wait3A_71 : memref<2048x128xf32, #tpu.memory_space<vmem_shared>>)
      tpu.yield
    }) : () -> ()
    %barrier3A_45 = arith.constant 0 : index
    tpu.barrier barrier_id(%barrier3A_45)
    %mul3A_46 = arith.constant 2048 : i32
    %mul3A_47 = arith.muli %arg0, %mul3A_46 : i32
    %mul3A_48 = arith.constant 128 : i32
    %mul3A_49 = arith.muli %arg1, %mul3A_48 : i32
    %add3A_50 = arith.addi %mul3A_47, %mul3A_49 : i32
    %mul3A_51 = arith.constant 128 : i32
    %mul3A_52 = arith.muli %arg1, %mul3A_51 : i32
    "tpu.region"() ({
      %run_scoped3A_53 = tpu.sem_alloc : memref<!tpu.dma_semaphore, #tpu.memory_space<semaphore_mem>>
      %dma_start3A_54 = arith.constant 0 : i32
      %dma_start3A_55 = tpu.memref_slice %arg4[%add3A_50, %dma_start3A_54] : memref<4096x128xf32, #tpu.memory_space<hbm>> -> memref<128x128xf32, #tpu.memory_space<hbm>>
      %dma_start3A_56 = arith.constant 0 : i32
      %dma_start3A_57 = tpu.memref_slice %arg9[%mul3A_52, %dma_start3A_56] : memref<2048x128xf32, #tpu.memory_space<vmem_shared>> -> memref<128x128xf32, #tpu.memory_space<vmem_shared>>
      tpu.enqueue_dma source(%dma_start3A_57 : memref<128x128xf32, #tpu.memory_space<vmem_shared>>) target(%dma_start3A_55 : memref<128x128xf32, #tpu.memory_space<hbm>>) target_semaphore(%run_scoped3A_53 : memref<!tpu.dma_semaphore, #tpu.memory_space<semaphore_mem>>)
      %dma_wait3A_58 = arith.constant 0 : i32
      %dma_wait3A_59 = tpu.memref_slice %arg4[%add3A_50, %dma_wait3A_58] : memref<4096x128xf32, #tpu.memory_space<hbm>> -> memref<128x128xf32, #tpu.memory_space<hbm>>
      %dma_wait3A_60 = arith.constant 0 : i32
      %dma_wait3A_61 = tpu.memref_slice %arg9[%mul3A_52, %dma_wait3A_60] : memref<2048x128xf32, #tpu.memory_space<vmem_shared>> -> memref<128x128xf32, #tpu.memory_space<vmem_shared>>
      tpu.wait_dma2 semaphore(%run_scoped3A_53 : memref<!tpu.dma_semaphore, #tpu.memory_space<semaphore_mem>>) src(%dma_wait3A_61 : memref<128x128xf32, #tpu.memory_space<vmem_shared>>) dst(%dma_wait3A_59 : memref<128x128xf32, #tpu.memory_space<hbm>>)
      tpu.yield
    }) : () -> ()
    return
  }
}

module attributes {stable_mosaic.version = 14 : i64} {
  func.func @_tc_final(%arg0: memref<4096x128xf32, #tpu.memory_space<vmem>>, %arg1: memref<16x128xf32, #tpu.memory_space<vmem>>, %arg2: memref<16x128xf32, #tpu.memory_space<vmem>>, %arg3: memref<1x16xf32, #tpu.memory_space<vmem>>, %arg4: memref<1x16xf32, #tpu.memory_space<vmem>>, %arg5: memref<2000x16xf32, #tpu.memory_space<vmem>>, %arg6: memref<2000x16xf32, #tpu.memory_space<vmem>>) attributes {dimension_semantics = [], scalar_prefetch = 0 : i64, scratch_operands = 0 : i64, tpu.core_type = #tpu.core_type<tc>} {
    %get3A = arith.constant 0 : index
    %get3A_0 = arith.constant 0 : index
    %get3A_1 = vector.load %arg0[%get3A, %get3A_0] : memref<4096x128xf32, #tpu.memory_space<vmem>>, vector<2000x128xf32>
    %get3A_2 = arith.constant 2048 : index
    %get3A_3 = arith.constant 0 : index
    %get3A_4 = vector.load %arg0[%get3A_2, %get3A_3] : memref<4096x128xf32, #tpu.memory_space<vmem>>, vector<2000x128xf32>
    %add3A = arith.addf %get3A_1, %get3A_4 : vector<2000x128xf32>
    %get3A_5 = arith.constant 0 : index
    %get3A_6 = arith.constant 0 : index
    %get3A_7 = vector.load %arg1[%get3A_5, %get3A_6] : memref<16x128xf32, #tpu.memory_space<vmem>>, vector<16x128xf32>
    %dot_general3A = arith.constant dense<0.000000e+00> : vector<2000x16xf32>
    %dot_general3A_8 = tpu.matmul %add3A, %get3A_7, %dot_general3A {dimension_numbers = #tpu.dot_dimension_numbers<[1], [1], [0], [0], [0, 0, 1, 0], [], []>, transpose_lhs_hint = false} : vector<2000x128xf32>, vector<16x128xf32>, vector<2000x16xf32> -> vector<2000x16xf32>
    %get3A_9 = arith.constant 0 : index
    %get3A_10 = arith.constant 0 : index
    %get3A_11 = vector.load %arg3[%get3A_9, %get3A_10] : memref<1x16xf32, #tpu.memory_space<vmem>>, vector<1x16xf32>
    %add3A_12 = vector.broadcast %get3A_11 : vector<1x16xf32> to vector<2000x16xf32>
    %add3A_13 = arith.addf %dot_general3A_8, %add3A_12 : vector<2000x16xf32>
    %swap3A = arith.constant 0 : index
    %swap3A_14 = arith.constant 0 : index
    %swap3A_15 = vector.load %arg5[%swap3A, %swap3A_14] : memref<2000x16xf32, #tpu.memory_space<vmem>>, vector<2000x16xf32>
    tpu.vector_store %arg5[%swap3A, %swap3A_14], %add3A_13 {strides = array<i32>} : memref<2000x16xf32, #tpu.memory_space<vmem>>, vector<2000x16xf32>,
    %get3A_16 = arith.constant 0 : index
    %get3A_17 = arith.constant 0 : index
    %get3A_18 = vector.load %arg2[%get3A_16, %get3A_17] : memref<16x128xf32, #tpu.memory_space<vmem>>, vector<16x128xf32>
    %dot_general3A_19 = arith.constant dense<0.000000e+00> : vector<2000x16xf32>
    %dot_general3A_20 = tpu.matmul %add3A, %get3A_18, %dot_general3A_19 {dimension_numbers = #tpu.dot_dimension_numbers<[1], [1], [0], [0], [0, 0, 1, 0], [], []>, transpose_lhs_hint = false} : vector<2000x128xf32>, vector<16x128xf32>, vector<2000x16xf32> -> vector<2000x16xf32>
    %get3A_21 = arith.constant 0 : index
    %get3A_22 = arith.constant 0 : index
    %get3A_23 = vector.load %arg4[%get3A_21, %get3A_22] : memref<1x16xf32, #tpu.memory_space<vmem>>, vector<1x16xf32>
    %add3A_24 = vector.broadcast %get3A_23 : vector<1x16xf32> to vector<2000x16xf32>
    %add3A_25 = arith.addf %dot_general3A_20, %add3A_24 : vector<2000x16xf32>
    %custom_jvp_call3A = arith.constant 0.000000e+00 : f32
    %max3A = vector.broadcast %custom_jvp_call3A : f32 to vector<2000x16xf32>
    %max3A_26 = arith.maximumf %add3A_25, %max3A : vector<2000x16xf32>
    %sub3A = vector.broadcast %custom_jvp_call3A : f32 to vector<2000x16xf32>
    %sub3A_27 = arith.subf %add3A_25, %sub3A : vector<2000x16xf32>
    %ne3A = arith.cmpf one, %sub3A_27, %sub3A_27 : vector<2000x16xf32>
    %add3A_28 = vector.broadcast %custom_jvp_call3A : f32 to vector<2000x16xf32>
    %add3A_29 = arith.addf %add3A_25, %add3A_28 : vector<2000x16xf32>
    %abs3A = math.absf %sub3A_27 : vector<2000x16xf32>
    %neg3A = arith.constant 0.000000e+00 : f32
    %neg3A_30 = vector.broadcast %neg3A : f32 to vector<2000x16xf32>
    %neg3A_31 = arith.subf %neg3A_30, %abs3A : vector<2000x16xf32>
    %exp3A = math.exp %neg3A_31 : vector<2000x16xf32>
    %log1p3A = math.log1p %exp3A : vector<2000x16xf32>
    %add3A_32 = arith.addf %max3A_26, %log1p3A : vector<2000x16xf32>
    %select_n3A = arith.select %ne3A, %add3A_29, %add3A_32 : vector<2000x16xi1>, vector<2000x16xf32>
    %add3A_33 = arith.constant 9.99999993E-9 : f32
    %add3A_34 = vector.broadcast %add3A_33 : f32 to vector<2000x16xf32>
    %add3A_35 = arith.addf %select_n3A, %add3A_34 : vector<2000x16xf32>
    %swap3A_36 = arith.constant 0 : index
    %swap3A_37 = arith.constant 0 : index
    %swap3A_38 = vector.load %arg6[%swap3A_36, %swap3A_37] : memref<2000x16xf32, #tpu.memory_space<vmem>>, vector<2000x16xf32>
    tpu.vector_store %arg6[%swap3A_36, %swap3A_37], %add3A_35 {strides = array<i32>} : memref<2000x16xf32, #tpu.memory_space<vmem>>, vector<2000x16xf32>,
    return
  }
}

</mosaic_0001>

<sc_bundles>
// kernel: kernel.4.cloned.1.call-start
scs
__scs_entry_jumppad:
0x0: {  	(pc) =	sbr.rel $0x88, $3  }
0x1: {  	(tag) =	ssettag $0x0;
	lr =	simm.s32 $0x1  }
0x2: {  	[smem:$0x3F9D] =	sst lr;
	_ =	strace $0xD0000000  }
0x3: {  	_ = 	snop  }
0x4: {  	_ = 	snop  }
0x5: {  	_ = 	snop  }
0x6: {  	_ = 	snop  }
0x7: {  	_ = 	snop  }
__scs_overlays_trampoline_lowered:
0x8: {  	[smem:$0x3FAC] =	sst s0  }
0x9: {  	[smem:$0x3FAD] =	sst s1  }
0xa: {  	[smem:$0x3FAE] =	sst s2  }
0xb: {  	[smem:$0x3FAF] =	sst s3  }
0xc: {  	[smem:$0x3FB0] =	sst s4  }
0xd: {  	[smem:$0x3FB1] =	sst s5  }
0xe: {  	[smem:$0x3FB2] =	sst s6  }
0xf: {  	[smem:$0x3FB3] =	sst s7  }
0x10: {  	[smem:$0x3FB4] =	sst s8  }
0x11: {  	[smem:$0x3FB5] =	sst s9;
	s0 =	simm.s32 @!p0 $0x0  }
0x12: {  	s1 =	sld [smem:$0x3F9B];
	s0 =	simm.s32 @p0 $0x1  }
0x13: {  	[smem:$0x3FB6] =	sst s0;
	s0 =	simm.s32 @!p1 $0x0  }
0x14: {  	s2 =	sld [smem:$0x3F9A];
	s0 =	simm.s32 @p1 $0x1  }
0x15: {  	[smem:$0x3FB7] =	sst s0;
	s0 =	simm.s32 @!p2 $0x0  }
0x16: {  	s3 =	sld [smem:$0x3FDB];
	s0 =	simm.s32 @p2 $0x1  }
0x17: {  	s4 =	simm.s32 $0x1BF5;
	[smem:$0x3FB9] =	sst s0  }
0x18: {  	s0 =	sld [smem:$0x3F9C];
	_ =	swait.ge [sflag:s4], $0x0  }
0x19: {  	s7 =	sld [smem:$0x3F9D]  }
0x1a: {  	s8 =	sadd.s32 $0xFFFFE003, lr  }
0x1b: {  	s9 =	sadd.s32 $0xFFFFFEF7, lr;
	s5 =	simm.s32 $0xFFFFFFFF;
	p2 =	slt.u32 s8, $0xFFFFF086  }
0x1c: {  	p1 =	slt.u32 s9, $0xF7A;
	s5 =	simm.s32 @!p2 $0x0  }
0x1d: {  	s5 =	simm.s32 @p1 $0x1;
	p0 =	seq.s32 s7, s2  }
0x1e: {  	s7 =	smul.u32 @!p0 $0xF7A, s2;
	p2 =	seq.s32 @!p0 s5, $0x0  }
0x1f: {  	s9 =	smul.u32 $0xF7A, s1;
	s8 =	simm.s32 @!p0 $0x1BF5;
	p2 =	por !p2, p0  }
0x20: {  	[sflag:s8] =	ssyncset.s32 @!p0 $0xFFFFF086;
	s6 =	sadd.s32 @!p0 s3, s7;
	s7 =	simm.s32 @!p0 $0x108  }
0x21: {  	s3 =	sadd.s32 s3, s9;
	s6 =	sadd.s32 @!p0 $0x88, s6;
	s7 =	simm.s32 @p2 $0x1082  }
0x22: {  	[simem:s7], [sflag:s8] =	dma.local @!p0 [hbm:s6], $0xF7A  }
0x23: {  	s9 =	sor.u32 $0xD0000000, s2;
	s6 =	simm.s32 $0x108;
	_ =	swait.ge @!p0 [sflag:s8], $0x0  }
0x24: {  	s3 =	sadd.s32 $0x88, s3;
	s6 =	simm.s32 @!p1 $0x1082;
	[sflag:s4] =	ssyncset.s32 $0xFFFFF086  }
0x25: {  	[simem:s6], [sflag:s4] =	dma.local [hbm:s3], $0xF7A  }
0x26: {  	[smem:$0x3F9D] =	sst s1;
	(tag) =	ssettag s2;
	_ =	strace s9  }
0x27: {  	s1 =	sld [smem:$0x3FAD]  }
0x28: {  	s2 =	sld [smem:$0x3FAE]  }
0x29: {  	s4 =	sld [smem:$0x3FB0]  }
0x2a: {  	p0 =	seq.s32 s5, $0x0;
	s5 =	sld [smem:$0x3FB1]  }
0x2b: {  	s6 =	sld [smem:$0x3FB2]  }
0x2c: {  	s7 =	sld [smem:$0x3FB3]  }
0x2d: {  	s3 =	simm.s32 $0x108;
	s8 =	sld [smem:$0x3FB4]  }
0x2e: {  	s3 =	simm.s32 @!p0 $0x1082;
	s9 =	sld [smem:$0x3FB5]  }
0x2f: {  	lr =	sadd.s32 s0, s3;
	s0 =	sld [smem:$0x3FAC]  }
0x30: {  	s3 =	sld [smem:$0x3FAF]  }
0x31: {  	[smem:$0x3FB8] =	sst s10  }
0x32: {  	s10 =	sld [smem:$0x3FB6];
	_ =	sdelay $0x3  }
0x33: {  	p0 =	seq.s32 s10, $0x1;
	s10 =	sld [smem:$0x3FB8];
	_ =	sdelay $0x3  }
0x34: {  	[smem:$0x3FB8] =	sst s10  }
0x35: {  	s10 =	sld [smem:$0x3FB7];
	_ =	sdelay $0x3  }
0x36: {  	p1 =	seq.s32 s10, $0x1;
	s10 =	sld [smem:$0x3FB8];
	_ =	sdelay $0x3  }
0x37: {  	[smem:$0x3FB8] =	sst s10  }
0x38: {  	s10 =	sld [smem:$0x3FB9]  }
0x39: {  	_ = 	snop;
	(pc) =	sbr.ind lr, $3  }
0x3a: {  	_ = 	snop  }
0x3b: {  	_ = 	snop  }
0x3c: {  	p2 =	seq.s32 s10, $0x1;
	s10 =	sld [smem:$0x3FB8]  }
0x3d: {  	_ =	shalt  }
0x3e: {  	_ =	shalt  }
0x3f: {  	_ =	shalt  }
0x40: {  	_ =	shalt  }
0x41: {  	_ =	shalt  }
0x42: {  	_ =	shalt  }
0x43: {  	_ =	shalt  }
0x44: {  	_ =	shalt  }
0x45: {  	_ =	shalt  }
0x46: {  	_ =	shalt  }
0x47: {  	_ =	shalt  }
0x48: {  	_ =	shalt  }
0x49: {  	_ =	shalt  }
0x4a: {  	_ =	shalt  }
0x4b: {  	_ =	shalt  }
0x4c: {  	_ =	shalt  }
0x4d: {  	_ =	shalt  }
0x4e: {  	_ =	shalt  }
0x4f: {  	_ =	shalt  }
0x50: {  	_ =	shalt  }
0x51: {  	_ =	shalt  }
0x52: {  	_ =	shalt  }
0x53: {  	_ =	shalt  }
0x54: {  	_ =	shalt  }
0x55: {  	_ =	shalt  }
0x56: {  	_ =	shalt  }
0x57: {  	_ =	shalt  }
0x58: {  	_ =	shalt  }
0x59: {  	_ =	shalt  }
0x5a: {  	_ =	shalt  }
0x5b: {  	_ =	shalt  }
0x5c: {  	_ =	shalt  }
0x5d: {  	_ =	shalt  }
0x5e: {  	_ =	shalt  }
0x5f: {  	_ =	shalt  }
0x60: {  	_ =	shalt  }
0x61: {  	_ =	shalt  }
0x62: {  	_ =	shalt  }
0x63: {  	_ =	shalt  }
0x64: {  	_ =	shalt  }
0x65: {  	_ =	shalt  }
0x66: {  	_ =	shalt  }
0x67: {  	_ =	shalt  }
0x68: {  	_ =	shalt  }
0x69: {  	_ =	shalt  }
0x6a: {  	_ =	shalt  }
0x6b: {  	_ =	shalt  }
0x6c: {  	_ =	shalt  }
0x6d: {  	_ =	shalt  }
0x6e: {  	_ =	shalt  }
0x6f: {  	_ =	shalt  }
0x70: {  	_ =	shalt  }
0x71: {  	_ =	shalt  }
0x72: {  	_ =	shalt  }
0x73: {  	_ =	shalt  }
0x74: {  	_ =	shalt  }
0x75: {  	_ =	shalt  }
0x76: {  	_ =	shalt  }
0x77: {  	_ =	shalt  }
0x78: {  	_ =	shalt  }
0x79: {  	_ =	shalt  }
0x7a: {  	_ =	shalt  }
0x7b: {  	_ =	shalt  }
0x7c: {  	_ =	shalt  }
0x7d: {  	_ =	shalt  }
0x7e: {  	_ =	shalt  }
0x7f: {  	_ =	shalt  }
0x80: {  	_ =	shalt  }
0x81: {  	_ =	shalt  }
0x82: {  	_ =	shalt  }
0x83: {  	_ =	shalt  }
0x84: {  	_ =	shalt  }
0x85: {  	_ =	shalt  }
0x86: {  	_ =	shalt  }
0x87: {  	_ =	shalt  }
.Lfunc_end0:
.L_simem_size_0:
called_computation_lowered:
.L_overlay_start_0:
0x88: {  	s2 =	sld [smem:$0x3FD9]  }
0x89: {  	s3 =	sld [smem:$0x3FFE];
	_ =	sdelay $0x1  }
0x8a: {  	s1 =	srdreg.scid  }
0x8b: {  	s0 =	sand.u32 $0x1, s1  }
0x8c: {  	s17 =	sshll.u32 s0, $0xA;
	s2 =	sadd.s32 s3, s2  }
0x8d: {  	s2 =	sadd.s32 s2, s17  }
0x8e: {  	[smem:$0x3FC4] =	sst s2  }
0x8f: {  	_ = 	snop  }
0x90: {  	s2 =	sld [smem:$0x3FC9];
	(tm) =	ssettm $0x1  }
0x91: {  	s18 =	sld [smem:$0x3FFB];
	_ =	sdelay $0x3  }
0x92: {  	_ =	strace s18  }
0x93: {  	s3 =	sld [smem:$0x3FFC];
	_ =	sdelay $0x3  }
0x94: {  	_ =	strace s3  }
0x95: {  	s3 =	sld [smem:$0x3FFD];
	_ =	sdelay $0x3  }
0x96: {  	_ =	strace s3  }
0x97: {  	_ =	strace $0x8FFFFFFF  }
0x98: {  	s19 =	sld [smem:$0x3FDB];
	_ =	sdelay $0x1  }
0x99: {  	s4 =	simm.s32 $_scs_section_size  }
0x9a: {  	s5 =	simm.s32 $_size__tile_overlayer_lowered;
	s6 =	simm.s32 $_tile_overlayer_lowered  }
0x9b: {  	s22 =	simm.s32 $0x1BFF;
	s21 =	sshll.u32 s6, $0x1;
	s3 =	sadd.s32 s4, s19  }
0x9c: {  	s7 =	simm.s32 $0x0;
	s20 =	sshll.u32 s5, $0x1;
	s5 =	sadd.s32 s21, s3  }
0x9d: {  	[timem:s7], [sflag:s22] =	dma.local [hbm:s5], s20  }
0x9e: {  	_ =	swait.ge [sflag:s22], s20  }
0x9f: {  	s4 =	ssub.s32 $0x0, s20;
	[sflag:s22] =	ssyncset.done $0x0  }
0xa0: {  	[sflag:s22] =	ssyncadd.s32 s4;
	_ =	sdelay $0x1  }
0xa1: {  	s23 =	simm.s32 $0x1B8B  }
0xa2: {  	_ =	swait.ge [sflag:s23], $0x1  }
0xa3: {  	[sflag:s23] =	ssyncset.done $0x0  }
0xa4: {  	s25 =	simm.s32 $0x1B8E;
	s24 =	sld [smem:$0x3FFE];
	[sflag:s23] =	ssyncadd.s32 $0xFFFFFFFF  }
0xa5: {  	s26 =	simm.s32 $execute0_lowered;
	[smem:$0x3FD2] =	sst s25  }
0xa6: {  	s5 =	sshll.u32 s26, $0x1;
	_ =	strace $0x80000046;
	[dreg:$0x1] =	wrdreg $0xFFFFFFFF  }
0xa7: {  	s28 =	simm.s32 $_size_execute0_lowered;
	s3 =	sadd.s32 s3, s5;
	[dreg:$0x0] =	wrdreg $0x0  }
0xa8: {  	s5 =	sshll.u32 s28, $0x1;
	[dreg:$0x2] =	wrdreg s3  }
0xa9: {  	[dreg:$0x3] =	wrdreg s5  }
0xaa: {  	[dreg:$0x4] =	wrdreg $0xC0  }
0xab: {  	_ =	task [dreg:s7], $0x5FFFF  }
0xac: {  	[dreg:$0x1] =	wrdreg $0xFFFFFFFF  }
0xad: {  	[dreg:$0x0] =	wrdreg $0x60  }
0xae: {  	[dreg:$0x2] =	wrdreg s2  }
0xaf: {  	[dreg:$0x3] =	wrdreg s24  }
0xb0: {  	[dreg:$0x4] =	wrdreg $0x160000  }
0xb1: {  	[dreg:$0x5] =	wrdreg $0x9  }
0xb2: {  	_ =	task.clear_ibuf [dreg:s7], $0x6FFFF;
	_ =	strace $0x90000046  }
0xb3: {  	s29 =	simm.s32 $0x9;
	_ =	strace $0x80000048  }
0xb4: {  	_ =	swait.ge [sflag:s29], $0x1  }
0xb5: {  	[sflag:s29] =	ssyncadd.s32 $0xFFFFFFFF  }
0xb6: {  	_ =	strace $0x90000048  }
0xb7: {  	_ =	sfence  }
0xb8: {  	s30 =	sld [smem:$0x0];
	_ =	sdelay $0x2  }
0xb9: {  	s31 =	sshll.u32 s1, $0xD;
	s1 =	sshrl.u32 s1, $0x2  }
0xba: {  	s3 =	sand.u32 $0x4000, s31;
	s1 =	sadd.s32 s1, s30  }
0xbb: {  	s0 =	sor.u32 s3, s0;
	s1 =	sshll.u32 s1, $0x11  }
0xbc: {  	s0 =	sor.u32 s1, s0  }
0xbd: {  	s0 =	sadd.s32 $0x8F2B, s0  }
0xbe: {  	[sflag:s0] =	ssyncadd.remote.s32 $0x1  }
0xbf: {  	_ =	sfence.sel $0xFFFF  }
0xc0: {  	[dreg:$0x0] =	wrdreg $0xFFFFFFFF;
	(pc) =	sbr.abs _section_cstart, $3  }
0xc1: {  	[dreg:$0x1] =	wrdreg $0xFFFFFFFF  }
0xc2: {  	_ =	task.clear_ibuf [dreg:s7], $0x2FFFF;
	_ =	strace $0x9FFFFFFF  }
0xc3: {  	(tm) =	ssettm $0x7FFFFFFF  }
tec
execute0_lowered:
.L_overlay_start_1:
0x0: {  	(tag) =	ssettag $0x1  }
0x1: {  	s1 =	rddreg [dreg:$0x0]  }
0x2: {  	s0 =	srdreg.scid;
	s4 =	rddreg [dreg:$0x1]  }
0x3: {  	s14 =	stileid.u32;
	s2 =	rddreg [dreg:$0x2]  }
0x4: {  	s16 =	simm.s32 $0x6400;
	s17 =	simm.s32 $0xC800;
	s18 =	simm.s32 $0x1  }
0x5: {  	s19 =	simm.s32 $0x64;
	s20 =	simm.s32 $0x3200;
	s21 =	simm.s32 $0x2  }
0x6: {  	s22 =	simm.s32 $0x9600;
	s23 =	simm.s32 $0x3;
	s24 =	simm.s32 $0xFA00  }
0x7: {  	s15 =	simm.s32 $0x15C80;
	s25 =	simm.s32 $0x15D80;
	s0 =	sand.u32 $0x1, s0  }
0x8: {  	s7 =	sshll.u32 s14, $0xB;
	s11 =	sshll.u32 s14, $0xE;
	s31 =	smul.u32 $0x27100, s14  }
0x9: {  	s3 =	sshll.u32 s0, $0x4;
	s8 =	ssub.s32 $0x2, s0;
	s13 =	sadd.s32 s7, s4  }
0xa: {  	s29 =	sshll.u32 s0, $0xF;
	s0 =	smul.u32 $0x271000, s0;
	s5 =	sor.u32 s14, s3  }
0xb: {  	s3 =	simm.s32 $0x0;
	s10 =	sshrl.u32 s8, $0x1;
	s6 =	smul.u32 $0x680, s5  }
0xc: {  	s14 =	simm.s32 $0x4;
	[smem:$0x7FF] =	sst s3;
	s9 =	smul.u32 $0x27100, s5  }
0xd: {  	s12 =	smul.u32 $0x138800, s5;
	s10 =	ssub.s32 s8, s10;
	s0 =	sadd.s32 s0, s1  }
0xe: {  	_ =	strace $0x80000047;
	s10 =	smax.u32 s10, $0x1;
	s0 =	sadd.s32 s31, s0  }
0xf: {  	s6 =	sadd.s32 s6, s4;
	s4 =	sadd.s32 s11, s2;
	s26 =	sshrl.u32 s12, $0x3  }
0x10: {  	s30 =	sadd.s32 $0x3E80, s0;
	s0 =	simm.s32 $0x15D00;
	s5 =	sadd.s32 $0xC00, s6  }
0x11: {  	s6 =	sadd.s32 s1, s9;
	s28 =	sadd.s32 s1, s26;
	s9 =	sadd.s32 s29, s13  }
0x12: {  	s26 =	simm.s32 $0x0;
	s7 =	sadd.s32 $0xC80, s28;
	s8 =	sadd.s32 $0x1900, s28  }
0x13: {  	v0 =	vimm.f32 $0.0e+00;
	s9 =	sadd.s32 $0xDC00, s9;
	s11 =	sadd.s32 $0x25800, s6;
	s12 =	sadd.s32 $0x26480, s6  }
.LBB2_1:
0x14: {  	s13 =	simm.s32 $0x0;
	s28 =	simm.s32 $0x200  }
.LBB2_2:
0x15: {  	p0 =	sne.s32 s28, $0xFE00;
	[tilespmem:s13+$0x70] =	vst v0  }
0x16: {  	[tilespmem:s13+$0x0] =	vst v0  }
0x17: {  	[tilespmem:s13+$0x10] =	vst v0  }
.Ltmp0:
0x18: {  	[tilespmem:s13+$0x20] =	vst v0;
	(pc) =	sbr.rel @p0 .LBB2_2-.Ltmp0, $4  }
0x19: {  	[tilespmem:s13+$0x30] =	vst v0  }
0x1a: {  	[tilespmem:s13+$0x40] =	vst v0  }
0x1b: {  	[tilespmem:s13+$0x50] =	vst v0  }
0x1c: {  	[tilespmem:s13+$0x60] =	vst v0;
	s13 =	sshra.s32 s28, $0x2;
	s28 =	sadd.s32 $0x200, s28  }
0x1d: {  	[tilespmem:s13+$0x70] =	vst v0  }
0x1e: {  	[tilespmem:s13+$0x0] =	vst v0  }
0x1f: {  	[tilespmem:s13+$0x10] =	vst v0  }
0x20: {  	[tilespmem:s13+$0x20] =	vst v0  }
0x21: {  	[tilespmem:s13+$0x30] =	vst v0  }
0x22: {  	[tilespmem:s13+$0x40] =	vst v0  }
0x23: {  	[tilespmem:s13+$0x50] =	vst v0  }
0x24: {  	[tilespmem:s13+$0x60] =	vst v0;
	s31 =	simm.s32 $0x0  }
0x25: {  	[spmem:s4] =	stream.linear.scatter [tilespmem:s31], [sflag:$0x4], $0x4000, $0x38;
	[tilespmem:$0x1A000] =	vst v63  }
0x26: {  	_ =	swait.ge [sflag:s14], $0x4000  }
0x27: {  	[sflag:s14] =	ssyncset.done $0x0  }
0x28: {  	s1 =	simm.s32 $0x12C00;
	[sflag:s14] =	ssyncadd.s32 $0xFFFFC000  }
0x29: {  	[tilespmem:s1], [sflag:$0x4] =	stream.linear.gather [hbm4b:s5+s31], $0x3200, $0x38;
	[tilespmem:$0x1A000] =	vst v63  }
0x2a: {  	_ =	swait.ge [sflag:s14], $0x3200  }
0x2b: {  	[sflag:s14] =	ssyncset.done $0x0  }
0x2c: {  	[sflag:s14] =	ssyncadd.s32 $0xFFFFCE00  }
0x2d: {  	[bflag:$0x0] =	sbarrier.arrive $0xFFFF  }
0x2e: {  	[tilespmem:s31], [sflag:$0x1] =	stream.linear.gather [hbm4b:s6+s31], $0x6400, $0x38;
	[tilespmem:$0x1A000] =	vst v63  }
0x2f: {  	_ = 	snop  }
0x30: {  	[tilespmem:s16], [sflag:$0x2] =	stream.linear.gather [hbm4b:s7+s31], $0x6400, $0x38;
	[tilespmem:$0x1A000] =	vst v63  }
0x31: {  	_ = 	snop  }
0x32: {  	[tilespmem:s17], [sflag:$0x3] =	stream.linear.gather [hbm4b:s8+s31], $0x6400, $0x38;
	[tilespmem:$0x1A000] =	vst v63  }
0x33: {  	_ =	swait.ge [sflag:s18], $0x6400  }
0x34: {  	[sflag:s18] =	ssyncset.done $0x0  }
0x35: {  	s1 =	simm.s32 $0x12C00;
	[sflag:s18] =	ssyncadd.s32 $0xFFFF9C00  }
0x36: {  	[spmem:s2] =	stream.indirect.scatter.add.f32 [tilespmem:s3], [sflag:$0x4], $0x80, s1, s19, $0xb8;
	[tilespmem:$0x1A000] =	vst v63  }
0x37: {  	_ =	swait.ge [sflag:s14], $0x3200  }
0x38: {  	[sflag:s14] =	ssyncset.done $0x0  }
0x39: {  	s31 =	simm.s32 $0x12C80;
	[sflag:s14] =	ssyncadd.s32 $0xFFFFCE00  }
0x3a: {  	[spmem:s2] =	stream.indirect.scatter.add.f32 [tilespmem:s20], [sflag:$0x4], $0x80, s31, s19, $0xb8;
	[tilespmem:$0x1A000] =	vst v63  }
0x3b: {  	_ =	swait.ge [sflag:s14], $0x3200  }
0x3c: {  	[sflag:s14] =	ssyncset.done $0x0  }
0x3d: {  	s1 =	sadd.s32 $0xFFFFE700, s30;
	[sflag:s14] =	ssyncadd.s32 $0xFFFFCE00  }
0x3e: {  	[tilespmem:s3], [sflag:$0x1] =	stream.linear.gather [hbm4b:s1+s3], $0x6400, $0x38;
	[tilespmem:$0x1A000] =	vst v63  }
0x3f: {  	_ =	swait.ge [sflag:s21], $0x6400  }
0x40: {  	[sflag:s21] =	ssyncset.done $0x0  }
0x41: {  	s31 =	simm.s32 $0x12D00;
	[sflag:s21] =	ssyncadd.s32 $0xFFFF9C00  }
0x42: {  	[spmem:s2] =	stream.indirect.scatter.add.f32 [tilespmem:s16], [sflag:$0x4], $0x80, s31, s19, $0xb8;
	[tilespmem:$0x1A000] =	vst v63  }
0x43: {  	_ =	swait.ge [sflag:s14], $0x3200  }
0x44: {  	[sflag:s14] =	ssyncset.done $0x0  }
0x45: {  	s1 =	simm.s32 $0x12D80;
	[sflag:s14] =	ssyncadd.s32 $0xFFFFCE00  }
0x46: {  	[spmem:s2] =	stream.indirect.scatter.add.f32 [tilespmem:s22], [sflag:$0x4], $0x80, s1, s19, $0xb8;
	[tilespmem:$0x1A000] =	vst v63  }
0x47: {  	_ =	swait.ge [sflag:s14], $0x3200  }
0x48: {  	[sflag:s14] =	ssyncset.done $0x0  }
0x49: {  	s31 =	sadd.s32 $0xFFFFF380, s30;
	[sflag:s14] =	ssyncadd.s32 $0xFFFFCE00  }
0x4a: {  	[tilespmem:s16], [sflag:$0x2] =	stream.linear.gather [hbm4b:s31+s3], $0x6400, $0x38;
	[tilespmem:$0x1A000] =	vst v63  }
0x4b: {  	_ =	swait.ge [sflag:s23], $0x6400  }
0x4c: {  	[sflag:s23] =	ssyncset.done $0x0  }
0x4d: {  	s1 =	simm.s32 $0x12E00;
	[sflag:s23] =	ssyncadd.s32 $0xFFFF9C00  }
0x4e: {  	[spmem:s2] =	stream.indirect.scatter.add.f32 [tilespmem:s17], [sflag:$0x4], $0x80, s1, s19, $0xb8;
	[tilespmem:$0x1A000] =	vst v63  }
0x4f: {  	_ =	swait.ge [sflag:s14], $0x3200  }
0x50: {  	[sflag:s14] =	ssyncset.done $0x0  }
0x51: {  	s31 =	simm.s32 $0x12E80;
	[sflag:s14] =	ssyncadd.s32 $0xFFFFCE00  }
0x52: {  	[spmem:s2] =	stream.indirect.scatter.add.f32 [tilespmem:s24], [sflag:$0x4], $0x80, s31, s19, $0xb8;
	[tilespmem:$0x1A000] =	vst v63  }
0x53: {  	_ =	swait.ge [sflag:s14], $0x3200  }
0x54: {  	s28 =	simm.s32 $0xC00;
	[sflag:s14] =	ssyncset.done $0x0  }
0x55: {  	s29 =	sadd.s32 $0x2580, s30;
	s13 =	smov.u32 s30;
	[sflag:s14] =	ssyncadd.s32 $0xFFFFCE00  }
.LBB2_4:
0x56: {  	[tilespmem:s17], [sflag:$0x3] =	stream.linear.gather [hbm4b:s13+s3], $0x6400, $0x38;
	[tilespmem:$0x1A000] =	vst v63  }
0x57: {  	s31 =	smov.u32 s28;
	s13 =	smov.u32 s29  }
0x58: {  	p0 =	sne.s32 s28, $0xA800;
	s28 =	sadd.s32 $0xC00, s28;
	_ =	swait.ge [sflag:s18], $0x6400  }
0x59: {  	s31 =	sshra.s32 s31, $0x2;
	[sflag:s18] =	ssyncset.done $0x0  }
0x5a: {  	s1 =	sadd.s32 $0x12C00, s31;
	[sflag:s18] =	ssyncadd.s32 $0xFFFF9C00  }
0x5b: {  	[spmem:s2] =	stream.indirect.scatter.add.f32 [tilespmem:s3], [sflag:$0x4], $0x80, s1, s19, $0xb8;
	[tilespmem:$0x1A000] =	vst v63  }
0x5c: {  	_ =	swait.ge [sflag:s14], $0x3200  }
0x5d: {  	[sflag:s14] =	ssyncset.done $0x0  }
0x5e: {  	s1 =	sadd.s32 $0x12C80, s31;
	[sflag:s14] =	ssyncadd.s32 $0xFFFFCE00  }
0x5f: {  	[spmem:s2] =	stream.indirect.scatter.add.f32 [tilespmem:s20], [sflag:$0x4], $0x80, s1, s19, $0xb8;
	[tilespmem:$0x1A000] =	vst v63  }
0x60: {  	_ =	swait.ge [sflag:s14], $0x3200  }
0x61: {  	[sflag:s14] =	ssyncset.done $0x0  }
0x62: {  	s1 =	sadd.s32 $0xFFFFE700, s29;
	[sflag:s14] =	ssyncadd.s32 $0xFFFFCE00  }
0x63: {  	[tilespmem:s3], [sflag:$0x1] =	stream.linear.gather [hbm4b:s1+s3], $0x6400, $0x38;
	[tilespmem:$0x1A000] =	vst v63  }
0x64: {  	_ =	swait.ge [sflag:s21], $0x6400  }
0x65: {  	[sflag:s21] =	ssyncset.done $0x0  }
0x66: {  	s1 =	sadd.s32 $0x12D00, s31;
	[sflag:s21] =	ssyncadd.s32 $0xFFFF9C00  }
0x67: {  	[spmem:s2] =	stream.indirect.scatter.add.f32 [tilespmem:s16], [sflag:$0x4], $0x80, s1, s19, $0xb8;
	[tilespmem:$0x1A000] =	vst v63  }
0x68: {  	_ =	swait.ge [sflag:s14], $0x3200  }
0x69: {  	[sflag:s14] =	ssyncset.done $0x0  }
0x6a: {  	s1 =	sadd.s32 $0x12D80, s31;
	[sflag:s14] =	ssyncadd.s32 $0xFFFFCE00  }
0x6b: {  	[spmem:s2] =	stream.indirect.scatter.add.f32 [tilespmem:s22], [sflag:$0x4], $0x80, s1, s19, $0xb8;
	[tilespmem:$0x1A000] =	vst v63  }
0x6c: {  	_ =	swait.ge [sflag:s14], $0x3200  }
0x6d: {  	[sflag:s14] =	ssyncset.done $0x0  }
0x6e: {  	s1 =	sadd.s32 $0xFFFFF380, s29;
	[sflag:s14] =	ssyncadd.s32 $0xFFFFCE00  }
0x6f: {  	[tilespmem:s16], [sflag:$0x2] =	stream.linear.gather [hbm4b:s1+s3], $0x6400, $0x38;
	[tilespmem:$0x1A000] =	vst v63  }
0x70: {  	_ =	swait.ge [sflag:s23], $0x6400  }
0x71: {  	[sflag:s23] =	ssyncset.done $0x0  }
0x72: {  	s1 =	sadd.s32 $0x12E00, s31;
	[sflag:s23] =	ssyncadd.s32 $0xFFFF9C00  }
0x73: {  	[spmem:s2] =	stream.indirect.scatter.add.f32 [tilespmem:s17], [sflag:$0x4], $0x80, s1, s19, $0xb8;
	[tilespmem:$0x1A000] =	vst v63  }
0x74: {  	_ =	swait.ge [sflag:s14], $0x3200  }
0x75: {  	[sflag:s14] =	ssyncset.done $0x0  }
.Ltmp1:
0x76: {  	s1 =	sadd.s32 $0x12E80, s31;
	[sflag:s14] =	ssyncadd.s32 $0xFFFFCE00;
	(pc) =	sbr.rel @p0 .LBB2_4-.Ltmp1, $4  }
0x77: {  	[spmem:s2] =	stream.indirect.scatter.add.f32 [tilespmem:s24], [sflag:$0x4], $0x80, s1, s19, $0xb8;
	[tilespmem:$0x1A000] =	vst v63  }
0x78: {  	_ =	swait.ge [sflag:s14], $0x3200  }
0x79: {  	[sflag:s14] =	ssyncset.done $0x0  }
0x7a: {  	s29 =	sadd.s32 $0x2580, s29;
	[sflag:s14] =	ssyncadd.s32 $0xFFFFCE00  }
0x7b: {  	[tilespmem:s17], [sflag:$0x3] =	stream.linear.gather [hbm4b:s13+s3], $0x6400, $0x38;
	[tilespmem:$0x1A000] =	vst v63  }
0x7c: {  	_ =	swait.ge [sflag:s18], $0x6400  }
0x7d: {  	[sflag:s18] =	ssyncset.done $0x0  }
0x7e: {  	s1 =	simm.s32 $0x15900;
	[sflag:s18] =	ssyncadd.s32 $0xFFFF9C00  }
0x7f: {  	[spmem:s2] =	stream.indirect.scatter.add.f32 [tilespmem:s3], [sflag:$0x4], $0x80, s1, s19, $0xb8;
	[tilespmem:$0x1A000] =	vst v63  }
0x80: {  	_ =	swait.ge [sflag:s14], $0x3200  }
0x81: {  	[sflag:s14] =	ssyncset.done $0x0  }
0x82: {  	s13 =	simm.s32 $0x15980;
	[sflag:s14] =	ssyncadd.s32 $0xFFFFCE00  }
0x83: {  	[spmem:s2] =	stream.indirect.scatter.add.f32 [tilespmem:s20], [sflag:$0x4], $0x80, s13, s19, $0xb8;
	[tilespmem:$0x1A000] =	vst v63  }
0x84: {  	_ =	swait.ge [sflag:s14], $0x3200  }
0x85: {  	[sflag:s14] =	ssyncset.done $0x0  }
0x86: {  	[sflag:s14] =	ssyncadd.s32 $0xFFFFCE00  }
0x87: {  	[tilespmem:s3], [sflag:$0x1] =	stream.linear.gather [hbm4b:s11+s3], $0x6400, $0x38;
	[tilespmem:$0x1A000] =	vst v63  }
0x88: {  	_ =	swait.ge [sflag:s21], $0x6400  }
0x89: {  	[sflag:s21] =	ssyncset.done $0x0  }
0x8a: {  	s28 =	simm.s32 $0x15A00;
	[sflag:s21] =	ssyncadd.s32 $0xFFFF9C00  }
0x8b: {  	[spmem:s2] =	stream.indirect.scatter.add.f32 [tilespmem:s16], [sflag:$0x4], $0x80, s28, s19, $0xb8;
	[tilespmem:$0x1A000] =	vst v63  }
0x8c: {  	_ =	swait.ge [sflag:s14], $0x3200  }
0x8d: {  	[sflag:s14] =	ssyncset.done $0x0  }
0x8e: {  	s29 =	simm.s32 $0x15A80;
	[sflag:s14] =	ssyncadd.s32 $0xFFFFCE00  }
0x8f: {  	[spmem:s2] =	stream.indirect.scatter.add.f32 [tilespmem:s22], [sflag:$0x4], $0x80, s29, s19, $0xb8;
	[tilespmem:$0x1A000] =	vst v63  }
0x90: {  	_ =	swait.ge [sflag:s14], $0x3200  }
0x91: {  	[sflag:s14] =	ssyncset.done $0x0  }
0x92: {  	[sflag:s14] =	ssyncadd.s32 $0xFFFFCE00  }
0x93: {  	[tilespmem:s16], [sflag:$0x2] =	stream.linear.gather [hbm4b:s12+s3], $0x6400, $0x38;
	[tilespmem:$0x1A000] =	vst v63  }
0x94: {  	_ =	swait.ge [sflag:s23], $0x6400  }
0x95: {  	[sflag:s23] =	ssyncset.done $0x0  }
0x96: {  	s31 =	simm.s32 $0x15B00;
	[sflag:s23] =	ssyncadd.s32 $0xFFFF9C00  }
0x97: {  	[spmem:s2] =	stream.indirect.scatter.add.f32 [tilespmem:s17], [sflag:$0x4], $0x80, s31, s19, $0xb8;
	[tilespmem:$0x1A000] =	vst v63  }
0x98: {  	_ =	swait.ge [sflag:s14], $0x3200  }
0x99: {  	[sflag:s14] =	ssyncset.done $0x0  }
0x9a: {  	s13 =	simm.s32 $0x15B80;
	[sflag:s14] =	ssyncadd.s32 $0xFFFFCE00  }
0x9b: {  	[spmem:s2] =	stream.indirect.scatter.add.f32 [tilespmem:s24], [sflag:$0x4], $0x80, s13, s19, $0xb8;
	[tilespmem:$0x1A000] =	vst v63  }
0x9c: {  	_ =	swait.ge [sflag:s14], $0x3200  }
0x9d: {  	[sflag:s14] =	ssyncset.done $0x0  }
0x9e: {  	[sflag:s14] =	ssyncadd.s32 $0xFFFFCE00  }
0x9f: {  	_ =	swait.ge [sflag:s18], $0x6400  }
0xa0: {  	[sflag:s18] =	ssyncset.done $0x0  }
0xa1: {  	s28 =	simm.s32 $0x15C00;
	[sflag:s18] =	ssyncadd.s32 $0xFFFF9C00  }
0xa2: {  	[spmem:s2] =	stream.indirect.scatter.add.f32 [tilespmem:s3], [sflag:$0x4], $0x80, s28, s19, $0xb8;
	[tilespmem:$0x1A000] =	vst v63  }
0xa3: {  	_ =	swait.ge [sflag:s14], $0x3200  }
0xa4: {  	[sflag:s14] =	ssyncset.done $0x0  }
0xa5: {  	[sflag:s14] =	ssyncadd.s32 $0xFFFFCE00  }
0xa6: {  	[spmem:s2] =	stream.indirect.scatter.add.f32 [tilespmem:s20], [sflag:$0x4], $0x80, s15, s19, $0xb8;
	[tilespmem:$0x1A000] =	vst v63  }
0xa7: {  	_ =	swait.ge [sflag:s14], $0x3200  }
0xa8: {  	[sflag:s14] =	ssyncset.done $0x0  }
0xa9: {  	[sflag:s14] =	ssyncadd.s32 $0xFFFFCE00  }
0xaa: {  	_ =	swait.ge [sflag:s21], $0x6400  }
0xab: {  	[sflag:s21] =	ssyncset.done $0x0  }
0xac: {  	[sflag:s21] =	ssyncadd.s32 $0xFFFF9C00  }
0xad: {  	[spmem:s2] =	stream.indirect.scatter.add.f32 [tilespmem:s16], [sflag:$0x4], $0x80, s0, s19, $0xb8;
	[tilespmem:$0x1A000] =	vst v63  }
0xae: {  	_ =	swait.ge [sflag:s14], $0x3200  }
0xaf: {  	[sflag:s14] =	ssyncset.done $0x0  }
0xb0: {  	[sflag:s14] =	ssyncadd.s32 $0xFFFFCE00  }
0xb1: {  	[spmem:s2] =	stream.indirect.scatter.add.f32 [tilespmem:s22], [sflag:$0x4], $0x80, s25, s19, $0xb8;
	[tilespmem:$0x1A000] =	vst v63  }
0xb2: {  	s29 =	stileid.u32;
	_ =	swait.ge [sflag:s14], $0x3200  }
0xb3: {  	s26 =	sadd.s32 $0x1, s26;
	s1 =	sshll.u32 s29, $0x6;
	[sflag:s14] =	ssyncset.done $0x0  }
0xb4: {  	p0 =	sne.s32 s26, s10;
	s1 =	sor.u32 $0x1C04, s1;
	[sflag:s14] =	ssyncadd.s32 $0xFFFFCE00  }
.Ltmp2:
0xb5: {  	s31 =	sshrl.u32 s4, $0x3;
	[bflag:$0x0] =	sbarrier.arrive $0xFFFF;
	(pc) =	sbr.rel @p0 .LBB2_1-.Ltmp2, $4  }
0xb6: {  	[hbm:s9], [sflag:s1] =	dma.local [spmem:s31], $0x800  }
0xb7: {  	_ =	swait.ge [sflag:s14], $0x800  }
0xb8: {  	[sflag:s14] =	ssyncset.done $0x0  }
0xb9: {  	[sflag:s14] =	ssyncadd.s32 $0xFFFFF800  }
0xba: {  	_ =	sfence.sel $0x180000  }
0xbb: {  	[bflag:$0x0] =	sbarrier.arrive $0xFFFF  }
0xbc: {  	_ =	strace $0x90000047  }
0xbd: {  	s0 =	stileid.u32;
	[bflag:$0x2] =	sbarrier.arrive $0xFFFF  }
0xbe: {  	p0 =	sne.s32 s0, $0x0;
	s0 =	rddreg [dreg:$0x3]  }
0xbf: {  	s0 =	sadd.s32 @!p0 $0x100000, s0  }
0xc0: {  	[sflag:s0] =	ssyncadd.tile.s32 @!p0 $0x1;
	_ =	shalt  }
.Lfunc_end2:
_tile_overlayer_lowered:
.L_overlay_start_2:
0xc1: {  	(tag) =	ssettag $0x2  }
0xc2: {  	s0 =	rddreg [dreg:$0x0];
	s2 =	stileid.u32  }
0xc3: {  	s1 =	rddreg [dreg:$0x1];
	p0 =	sne.s32 s2, $0x0  }
0xc4: {  	s3 =	rddreg [dreg:$0x2];
	[bflag:$0x3] =	sbarrier.arrive $0xFFFF;
	s2 =	simm.s32 @!p0 $0x1C04  }
0xc5: {  	[timem:s3], [sflag:s2] =	dma.local @!p0 [hbm:s0], s1  }
0xc6: {  	s0 =	simm.s32 @!p0 $0x4  }
0xc7: {  	_ =	swait.ge @!p0 [sflag:s0], s1  }
0xc8: {  	s1 =	ssub.s32 @!p0 $0x0, s1;
	[sflag:s0] =	ssyncset.done @!p0 $0x0  }
0xc9: {  	[sflag:s0] =	ssyncadd.s32 @!p0 s1  }
0xca: {  	[bflag:$0x3] =	sbarrier.arrive $0xFFFF  }
0xcb: {  	_ =	shalt  }

</sc_bundles>
